<compile_context>
chip_gen: v7x
topology: tpu7x:2x2x1
jax: 0.10.2.dev20260603
libtpu: 0.0.44.dev20260713+nightly
codegen_flags: <defaults>
</compile_context>

<pallas_src>
import functools

import jax
import jax.numpy as jnp
from jax import lax
from jax.experimental import pallas as pl
from jax.experimental.pallas import tpu as pltpu
from jax.experimental.pallas import tpu_sc as plsc

N = 10000
E = 160000
D = 256
H = 128
NC = 2
NS = 16
RPT = 632
RPT_LAST = N - (NS - 1) * RPT

_sc_mesh = plsc.VectorSubcoreMesh(core_axis_name="c", subcore_axis_name="s")


def _ranged_copy(s, src, dst, src_off, dst_off):
    rbase = s * RPT

    @pl.when(s < NS - 1)
    def _():
        pltpu.sync_copy(src.at[pl.ds(src_off + rbase, RPT)],
                        dst.at[pl.ds(dst_off + rbase, RPT)])

    @pl.when(s == NS - 1)
    def _():
        pltpu.sync_copy(src.at[pl.ds(src_off + rbase, RPT_LAST)],
                        dst.at[pl.ds(dst_off + rbase, RPT_LAST)])

DEG_CHUNK = 1000
DEG_NCK = 5
DEG_EPT = E // (NC * NS)
RPT16 = (RPT + 15) // 16


@functools.partial(
    pl.kernel,
    out_type=jax.ShapeDtypeStruct((NC * N,), jnp.float32),
    mesh=_sc_mesh,
    scratch_types=[
        pltpu.VMEM_SHARED((N, 16), jnp.float32),
        pltpu.VMEM((DEG_NCK, DEG_CHUNK), jnp.int32),
        pltpu.VMEM((DEG_CHUNK, 16), jnp.float32),
        pltpu.VMEM((RPT16 * 16, 16), jnp.float32),
        pltpu.VMEM((RPT16 * 16,), jnp.float32),
        pltpu.SemaphoreType.DMA,
    ],
    compiler_params=pltpu.CompilerParams(use_tc_tiling_on_sc=False,
                                         needs_layout_passes=False),
)
def _deg_kernel(send_hbm, const_hbm, deg_hbm, acc, idx_v, ones_v, cpy_v, deg_v, sem):
    c = lax.axis_index("c")
    s = lax.axis_index("s")

    rbase = s * RPT
    pltpu.sync_copy(const_hbm.at[pl.ds(0, DEG_CHUNK)], ones_v)

    @pl.when(s < NS - 1)
    def _():
        pltpu.sync_copy(const_hbm.at[pl.ds(DEG_CHUNK, RPT)], acc.at[pl.ds(rbase, RPT)])

    @pl.when(s == NS - 1)
    def _():
        pltpu.sync_copy(const_hbm.at[pl.ds(DEG_CHUNK, RPT_LAST)],
                        acc.at[pl.ds(rbase, RPT_LAST)])

    base = (c * NS + s) * DEG_NCK
    pltpu.async_copy(send_hbm.at[pl.ds(base, DEG_NCK)], idx_v, sem)
    plsc.subcore_barrier()
    pltpu.make_async_copy(send_hbm.at[pl.ds(base, DEG_NCK)], idx_v, sem).wait()
    for j in range(DEG_NCK):
        pltpu.async_copy(ones_v, acc.at[idx_v.at[j]], sem, add=True)
    for j in range(DEG_NCK):
        pltpu.make_async_copy(ones_v, acc.at[idx_v.at[j]], sem).wait()
    plsc.subcore_barrier()

    @pl.when(s < NS - 1)
    def _():
        pltpu.sync_copy(acc.at[pl.ds(rbase, RPT)], cpy_v.at[pl.ds(0, RPT)])

    @pl.when(s == NS - 1)
    def _():
        pltpu.sync_copy(acc.at[pl.ds(rbase, RPT_LAST)], cpy_v.at[pl.ds(0, RPT_LAST)])

    zcol = jnp.zeros((16,), jnp.int32)

    def compact(j, _):
        rowi = j * 16 + lax.iota(jnp.int32, 16)
        deg_v[pl.ds(j * 16, 16)] = plsc.load_gather(cpy_v, [rowi, zcol])
        return 0

    lax.fori_loop(0, RPT16, compact, 0)

    @pl.when(s < NS - 1)
    def _():
        pltpu.sync_copy(deg_v.at[pl.ds(0, RPT)], deg_hbm.at[pl.ds(c * N + rbase, RPT)])

    @pl.when(s == NS - 1)
    def _():
        pltpu.sync_copy(deg_v.at[pl.ds(0, RPT_LAST)],
                        deg_hbm.at[pl.ds(c * N + rbase, RPT_LAST)])


RB = 1000


def _mlp_body(x_ref, w0_ref, b0_ref, w1_ref, b1_ref, d0_ref, d1_ref, out_ref):
    x = x_ref[...]
    h = jnp.dot(x, w0_ref[...], preferred_element_type=jnp.float32) + b0_ref[...]
    h = jnp.maximum(h, 0.0)
    h = jnp.dot(h, w1_ref[...], preferred_element_type=jnp.float32) + b1_ref[...]
    h = jnp.maximum(h, 0.0)
    inv = 1.0 / (d0_ref[0, 0] + d1_ref[0, 0] + 1.0)
    h = h * inv[:, None]
    out_ref[0] = h[:, :H]
    out_ref[1] = h[:, H:]


AGG_CHUNK = 128
AGG_CPT = 79
AGG_NCH = NS * AGG_CPT
E_PAD = AGG_NCH * AGG_CHUNK
NDUMMY = 8


@functools.partial(
    pl.kernel,
    out_type=jax.ShapeDtypeStruct((N, D), jnp.float32),
    mesh=_sc_mesh,
    scratch_types=[
        pltpu.VMEM_SHARED((N + NDUMMY, H), jnp.float32),
        pltpu.VMEM((2, AGG_CHUNK), jnp.int32),
        pltpu.VMEM((2, AGG_CHUNK), jnp.int32),
        pltpu.VMEM((AGG_CHUNK, H), jnp.float32),
        pltpu.VMEM((AGG_CHUNK, H), jnp.float32),
        pltpu.SemaphoreType.DMA,
        pltpu.SemaphoreType.DMA,
        pltpu.SemaphoreType.DMA,
        pltpu.SemaphoreType.DMA,
    ],
)
def _agg_kernel(h2_hbm, se_hbm, out_hbm, acc,
                idx2_a, idx2_b, rows_a, rows_b,
                isem_a, isem_b, gsem_a, gsem_b):
    c = lax.axis_index("c")
    s = lax.axis_index("s")
    coff = c * N
    cbase = c * AGG_NCH + s * AGG_CPT

    def issue_idx(j, idx2, isem):
        pltpu.async_copy(se_hbm.at[cbase + j], idx2, isem)

    def wait_idx(j, idx2, isem):
        pltpu.make_async_copy(se_hbm.at[cbase + j], idx2, isem).wait()

    def issue_gather(idx2, rows, gsem):
        pltpu.async_copy(h2_hbm.at[idx2.at[0]], rows, gsem)

    def wait_gather(idx2, rows, gsem):
        pltpu.make_async_copy(h2_hbm.at[idx2.at[0]], rows, gsem).wait()

    def scatter(idx2, rows):
        pltpu.sync_copy(rows, acc.at[idx2.at[1]], add=True)

    issue_idx(0, idx2_a, isem_a)
    issue_idx(1, idx2_b, isem_b)
    wait_idx(0, idx2_a, isem_a)
    issue_gather(idx2_a, rows_a, gsem_a)
    _ranged_copy(s, h2_hbm, acc, coff, 0)
    plsc.subcore_barrier()

    def body(k, _):
        j = 1 + 2 * k
        wait_idx(j, idx2_b, isem_b)
        issue_gather(idx2_b, rows_b, gsem_b)
        wait_gather(idx2_a, rows_a, gsem_a)
        scatter(idx2_a, rows_a)
        issue_idx(j + 1, idx2_a, isem_a)
        wait_idx(j + 1, idx2_a, isem_a)
        issue_gather(idx2_a, rows_a, gsem_a)
        wait_gather(idx2_b, rows_b, gsem_b)
        scatter(idx2_b, rows_b)

        @pl.when(k < (AGG_CPT - 1) // 2 - 1)
        def _():
            issue_idx(j + 2, idx2_b, isem_b)

        return 0

    lax.fori_loop(0, (AGG_CPT - 1) // 2, body, 0)
    wait_gather(idx2_a, rows_a, gsem_a)
    scatter(idx2_a, rows_a)

    plsc.subcore_barrier()
    rbase = s * RPT
    chalf = c * H

    @pl.when(s < NS - 1)
    def _():
        pltpu.sync_copy(acc.at[pl.ds(rbase, RPT)],
                        out_hbm.at[pl.ds(rbase, RPT), pl.ds(chalf, H)])

    @pl.when(s == NS - 1)
    def _():
        pltpu.sync_copy(acc.at[pl.ds(rbase, RPT_LAST)],
                        out_hbm.at[pl.ds(rbase, RPT_LAST), pl.ds(chalf, H)])


def kernel(nodes, senders, receivers, W0, b0, W1, b1):
    deg_const = jnp.concatenate([jnp.ones((DEG_CHUNK, 16), jnp.float32),
                                 jnp.zeros((RPT, 16), jnp.float32)])
    deg = _deg_kernel(senders.reshape(NC * NS * DEG_NCK, DEG_CHUNK), deg_const)
    nrb = N // RB
    h2 = pl.pallas_call(
        _mlp_body,
        grid=(nrb,),
        in_specs=[
            pl.BlockSpec((RB, D), lambda i: (i, 0)),
            pl.BlockSpec((D, D), lambda i: (0, 0)),
            pl.BlockSpec((1, D), lambda i: (0, 0)),
            pl.BlockSpec((D, D), lambda i: (0, 0)),
            pl.BlockSpec((1, D), lambda i: (0, 0)),
            pl.BlockSpec((1, 1, RB), lambda i: (i, 0, 0)),
            pl.BlockSpec((1, 1, RB), lambda i: (i + nrb, 0, 0)),
        ],
        out_specs=pl.BlockSpec((NC, RB, H), lambda i: (0, i, 0)),
        out_shape=jax.ShapeDtypeStruct((NC, N, H), jnp.float32),
    )(nodes, W0, b0.reshape(1, D), W1, b1.reshape(1, D),
      deg.reshape(NC * nrb, 1, RB), deg.reshape(NC * nrb, 1, RB))
    pad = E_PAD - E
    pad_idx = jnp.arange(pad, dtype=senders.dtype) % NDUMMY
    s_pad = jnp.concatenate([senders, pad_idx])
    r_pad = jnp.concatenate([receivers, N + pad_idx])
    rchunks = r_pad.reshape(AGG_NCH, AGG_CHUNK)
    se = jnp.stack([
        jnp.stack([(s_pad + c * N).reshape(AGG_NCH, AGG_CHUNK), rchunks], axis=1)
        for c in range(NC)
    ]).reshape(NC * AGG_NCH, 2, AGG_CHUNK)
    return _agg_kernel(h2.reshape(NC * N, H), se)

# --- scband reference (transcript-rebuilt; emitter-appended) ---
"""Pipeline reference for scband-my-gcn-44736379355732 (READ-ONLY COPY).

The authoritative reference and input builder live on the scoring server;
editing this copy changes nothing except your own understanding.
"""

import jax, jax.numpy as jnp
import numpy as np

N = 10000
E = 160000
D_IN = 256
FEATS = (256, 256)

def setup_inputs(seed: int = 0):
    key = jax.random.key(seed)
    kn, ks, kr, kw0, kw1 = jax.random.split(key, 5)
    nodes = jax.random.normal(kn, (N, D_IN), dtype=jnp.float32)
    senders = jax.random.randint(ks, (E,), 0, N, dtype=jnp.int32)
    receivers = jax.random.randint(kr, (E,), 0, N, dtype=jnp.int32)
    W0 = jax.random.normal(kw0, (D_IN, FEATS[0]), dtype=jnp.float32) * (1.0 / np.sqrt(D_IN))
    b0 = jnp.zeros((FEATS[0],), dtype=jnp.float32)
    W1 = jax.random.normal(kw1, (FEATS[0], FEATS[1]), dtype=jnp.float32) * (1.0 / np.sqrt(FEATS[0]))
    b1 = jnp.zeros((FEATS[1],), dtype=jnp.float32)
    return {"nodes": nodes, "senders": senders, "receivers": receivers, "W0": W0, "b0": b0, "W1": W1, "b1": b1}

def reference(nodes, senders, receivers, W0, b0, W1, b1):
    # Dense layers + relu (the per-feature MLP stack)
    h = jax.nn.relu(nodes @ W0 + b0)
    h = jax.nn.relu(h @ W1 + b1)
    n = h.shape[0]
    # add self edges
    self_idx = jnp.arange(n, dtype=senders.dtype)
    s = jnp.concatenate((senders, self_idx))
    r = jnp.concatenate((receivers, self_idx))
    # degree normalization (computed over senders, as in original)
    deg = jax.ops.segment_sum(jnp.ones_like(r), s, n)
    h = h * jax.lax.reciprocal(jnp.maximum(deg, 1.0))[:, None]
    # aggregation: gather by senders, scatter-add by receivers
    out = jax.ops.segment_sum(h[s], r, n)
    return out

if __name__ == "__main__":
    import jax
    _d = setup_inputs()
    print(jax.jit(kernel)(*tuple(_d.values())))

</pallas_src>

<mosaic_0001>
#map = affine_map<(d0, d1) -> (0, 0)>
#map1 = affine_map<(d0, d1) -> (0)>
module attributes {stable_mosaic.version = 14 : i64} {
  func.func @_deg_kernel(%arg0: i32, %arg1: i32, %arg2: memref<160x1000xi32, #tpu.memory_space<hbm>>, %arg3: memref<1632x16xf32, #tpu.memory_space<hbm>>, %arg4: memref<20000xf32, #tpu.memory_space<hbm>>, %arg5: memref<10000x16xf32, #tpu.memory_space<vmem_shared>>, %arg6: memref<5x1000xi32, #tpu.memory_space<vmem>>, %arg7: memref<1000x16xf32, #tpu.memory_space<vmem>>, %arg8: memref<640x16xf32, #tpu.memory_space<vmem>>, %arg9: memref<640xf32, #tpu.memory_space<vmem>>, %arg10: memref<!tpu.dma_semaphore, #tpu.memory_space<semaphore_mem>>) attributes {dimension_semantics = [#tpu.dimension_semantics<core_parallel>, #tpu.dimension_semantics<subcore_parallel>], iteration_bounds = array<i64: 2, 16>, scalar_prefetch = 0 : i64, scratch_operands = 6 : i64, tpu.core_type = #tpu.core_type<sc_vector_subcore>, window_params = [{transform_indices = #map}, {transform_indices = #map}, {transform_indices = #map1}]} {
    %mul3A = arith.constant 632 : i32
    %mul3A_0 = arith.muli %arg1, %mul3A : i32
    "tpu.region"() ({
      %run_scoped3A = tpu.sem_alloc : memref<!tpu.dma_semaphore, #tpu.memory_space<semaphore_mem>>
      %dma_start3A_115 = arith.constant 0 : i32
      %dma_start3A_116 = arith.constant 0 : i32
      %dma_start3A_117 = tpu.memref_slice %arg3[%dma_start3A_115, %dma_start3A_116] : memref<1632x16xf32, #tpu.memory_space<hbm>> -> memref<1000x16xf32, #tpu.memory_space<hbm>>
      %dma_start3A_118 = arith.constant 0 : i32
      %dma_start3A_119 = arith.constant 0 : i32
      %dma_start3A_120 = tpu.memref_slice %arg3[%dma_start3A_118, %dma_start3A_119] : memref<1632x16xf32, #tpu.memory_space<hbm>> -> memref<1000x16xf32, #tpu.memory_space<hbm>>
      tpu.enqueue_dma source(%dma_start3A_120 : memref<1000x16xf32, #tpu.memory_space<hbm>>) target(%arg7 : memref<1000x16xf32, #tpu.memory_space<vmem>>) target_semaphore(%run_scoped3A : memref<!tpu.dma_semaphore, #tpu.memory_space<semaphore_mem>>)
      %dma_wait3A_121 = arith.constant 0 : i32
      %dma_wait3A_122 = arith.constant 0 : i32
      %dma_wait3A_123 = tpu.memref_slice %arg3[%dma_wait3A_121, %dma_wait3A_122] : memref<1632x16xf32, #tpu.memory_space<hbm>> -> memref<1000x16xf32, #tpu.memory_space<hbm>>
      %dma_wait3A_124 = arith.constant 0 : i32
      %dma_wait3A_125 = arith.constant 0 : i32
      %dma_wait3A_126 = tpu.memref_slice %arg3[%dma_wait3A_124, %dma_wait3A_125] : memref<1632x16xf32, #tpu.memory_space<hbm>> -> memref<1000x16xf32, #tpu.memory_space<hbm>>
      tpu.wait_dma2 semaphore(%run_scoped3A : memref<!tpu.dma_semaphore, #tpu.memory_space<semaphore_mem>>) src(%dma_wait3A_126 : memref<1000x16xf32, #tpu.memory_space<hbm>>) dst(%arg7 : memref<1000x16xf32, #tpu.memory_space<vmem>>)
      tpu.yield
    }) : () -> ()
    %lt3A = arith.constant 15 : i32
    %lt3A_1 = arith.cmpi slt, %arg1, %lt3A : i32
    %convert_element_type3A = arith.extui %lt3A_1 : i1 to i32
    %cond3A = arith.constant 0 : i32
    %cond3A_2 = arith.cmpi ne, %convert_element_type3A, %cond3A : i32
    scf.if %cond3A_2 {
      "tpu.region"() ({
        %run_scoped3A = tpu.sem_alloc : memref<!tpu.dma_semaphore, #tpu.memory_space<semaphore_mem>>
        %dma_start3A_115 = arith.constant 0 : i32
        %dma_start3A_116 = tpu.memref_slice %arg5[%mul3A_0, %dma_start3A_115] : memref<10000x16xf32, #tpu.memory_space<vmem_shared>> -> memref<632x16xf32, #tpu.memory_space<vmem_shared>>
        %dma_start3A_117 = arith.constant 1000 : i32
        %dma_start3A_118 = arith.constant 0 : i32
        %dma_start3A_119 = tpu.memref_slice %arg3[%dma_start3A_117, %dma_start3A_118] : memref<1632x16xf32, #tpu.memory_space<hbm>> -> memref<632x16xf32, #tpu.memory_space<hbm>>
        tpu.enqueue_dma source(%dma_start3A_119 : memref<632x16xf32, #tpu.memory_space<hbm>>) target(%dma_start3A_116 : memref<632x16xf32, #tpu.memory_space<vmem_shared>>) target_semaphore(%run_scoped3A : memref<!tpu.dma_semaphore, #tpu.memory_space<semaphore_mem>>)
        %dma_wait3A_120 = arith.constant 0 : i32
        %dma_wait3A_121 = tpu.memref_slice %arg5[%mul3A_0, %dma_wait3A_120] : memref<10000x16xf32, #tpu.memory_space<vmem_shared>> -> memref<632x16xf32, #tpu.memory_space<vmem_shared>>
        %dma_wait3A_122 = arith.constant 1000 : i32
        %dma_wait3A_123 = arith.constant 0 : i32
        %dma_wait3A_124 = tpu.memref_slice %arg3[%dma_wait3A_122, %dma_wait3A_123] : memref<1632x16xf32, #tpu.memory_space<hbm>> -> memref<632x16xf32, #tpu.memory_space<hbm>>
        tpu.wait_dma2 semaphore(%run_scoped3A : memref<!tpu.dma_semaphore, #tpu.memory_space<semaphore_mem>>) src(%dma_wait3A_124 : memref<632x16xf32, #tpu.memory_space<hbm>>) dst(%dma_wait3A_121 : memref<632x16xf32, #tpu.memory_space<vmem_shared>>)
        tpu.yield
      }) : () -> ()
    } else {
    }
    %eq3A = arith.constant 15 : i32
    %eq3A_3 = arith.cmpi eq, %arg1, %eq3A : i32
    %convert_element_type3A_4 = arith.extui %eq3A_3 : i1 to i32
    %cond3A_5 = arith.constant 0 : i32
    %cond3A_6 = arith.cmpi ne, %convert_element_type3A_4, %cond3A_5 : i32
    scf.if %cond3A_6 {
      "tpu.region"() ({
        %run_scoped3A = tpu.sem_alloc : memref<!tpu.dma_semaphore, #tpu.memory_space<semaphore_mem>>
        %dma_start3A_115 = arith.constant 0 : i32
        %dma_start3A_116 = tpu.memref_slice %arg5[%mul3A_0, %dma_start3A_115] : memref<10000x16xf32, #tpu.memory_space<vmem_shared>> -> memref<520x16xf32, #tpu.memory_space<vmem_shared>>
        %dma_start3A_117 = arith.constant 1000 : i32
        %dma_start3A_118 = arith.constant 0 : i32
        %dma_start3A_119 = tpu.memref_slice %arg3[%dma_start3A_117, %dma_start3A_118] : memref<1632x16xf32, #tpu.memory_space<hbm>> -> memref<520x16xf32, #tpu.memory_space<hbm>>
        tpu.enqueue_dma source(%dma_start3A_119 : memref<520x16xf32, #tpu.memory_space<hbm>>) target(%dma_start3A_116 : memref<520x16xf32, #tpu.memory_space<vmem_shared>>) target_semaphore(%run_scoped3A : memref<!tpu.dma_semaphore, #tpu.memory_space<semaphore_mem>>)
        %dma_wait3A_120 = arith.constant 0 : i32
        %dma_wait3A_121 = tpu.memref_slice %arg5[%mul3A_0, %dma_wait3A_120] : memref<10000x16xf32, #tpu.memory_space<vmem_shared>> -> memref<520x16xf32, #tpu.memory_space<vmem_shared>>
        %dma_wait3A_122 = arith.constant 1000 : i32
        %dma_wait3A_123 = arith.constant 0 : i32
        %dma_wait3A_124 = tpu.memref_slice %arg3[%dma_wait3A_122, %dma_wait3A_123] : memref<1632x16xf32, #tpu.memory_space<hbm>> -> memref<520x16xf32, #tpu.memory_space<hbm>>
        tpu.wait_dma2 semaphore(%run_scoped3A : memref<!tpu.dma_semaphore, #tpu.memory_space<semaphore_mem>>) src(%dma_wait3A_124 : memref<520x16xf32, #tpu.memory_space<hbm>>) dst(%dma_wait3A_121 : memref<520x16xf32, #tpu.memory_space<vmem_shared>>)
        tpu.yield
      }) : () -> ()
    } else {
    }
    %mul3A_7 = arith.constant 16 : i32
    %mul3A_8 = arith.muli %arg0, %mul3A_7 : i32
    %add3A = arith.addi %mul3A_8, %arg1 : i32
    %mul3A_9 = arith.constant 5 : i32
    %mul3A_10 = arith.muli %add3A, %mul3A_9 : i32
    %dma_start3A = arith.constant 0 : i32
    %dma_start3A_11 = tpu.memref_slice %arg2[%mul3A_10, %dma_start3A] : memref<160x1000xi32, #tpu.memory_space<hbm>> -> memref<5x1000xi32, #tpu.memory_space<hbm>>
    %dma_start3A_12 = arith.constant 0 : i32
    %dma_start3A_13 = tpu.memref_slice %arg2[%mul3A_10, %dma_start3A_12] : memref<160x1000xi32, #tpu.memory_space<hbm>> -> memref<5x1000xi32, #tpu.memory_space<hbm>>
    tpu.enqueue_dma source(%dma_start3A_13 : memref<5x1000xi32, #tpu.memory_space<hbm>>) target(%arg6 : memref<5x1000xi32, #tpu.memory_space<vmem>>) target_semaphore(%arg10 : memref<!tpu.dma_semaphore, #tpu.memory_space<semaphore_mem>>)
    %barrier3A = arith.constant 0 : index
    tpu.barrier barrier_id(%barrier3A)
    %dma_wait3A = arith.constant 0 : i32
    %dma_wait3A_14 = tpu.memref_slice %arg2[%mul3A_10, %dma_wait3A] : memref<160x1000xi32, #tpu.memory_space<hbm>> -> memref<5x1000xi32, #tpu.memory_space<hbm>>
    %dma_wait3A_15 = arith.constant 0 : i32
    %dma_wait3A_16 = tpu.memref_slice %arg2[%mul3A_10, %dma_wait3A_15] : memref<160x1000xi32, #tpu.memory_space<hbm>> -> memref<5x1000xi32, #tpu.memory_space<hbm>>
    tpu.wait_dma2 semaphore(%arg10 : memref<!tpu.dma_semaphore, #tpu.memory_space<semaphore_mem>>) src(%dma_wait3A_16 : memref<5x1000xi32, #tpu.memory_space<hbm>>) dst(%arg6 : memref<5x1000xi32, #tpu.memory_space<vmem>>)
    %dma_start3A_17 = arith.constant 0 : i32
    %dma_start3A_18 = arith.constant 0 : i32
    %dma_start3A_19 = tpu.memref_slice %arg6[%dma_start3A_17, %dma_start3A_18] : memref<5x1000xi32, #tpu.memory_space<vmem>> -> memref<1x1000xi32, #tpu.memory_space<vmem>>
    %dma_start3A_20 = tpu.memref_squeeze %dma_start3A_19 : memref<1x1000xi32, #tpu.memory_space<vmem>> -> memref<1000xi32, #tpu.memory_space<vmem>>
    %dma_start3A_21 = arith.constant 0 : i32
    %dma_start3A_22 = arith.constant 0 : i32
    %dma_start3A_23 = tpu.memref_slice %arg5[%dma_start3A_21, %dma_start3A_22] : memref<10000x16xf32, #tpu.memory_space<vmem_shared>> -> memref<10000x16xf32, #tpu.memory_space<vmem_shared>>
    tpu.enqueue_indirect_dma source(%arg7 : memref<1000x16xf32, #tpu.memory_space<vmem>>) target(%dma_start3A_23 : memref<10000x16xf32, #tpu.memory_space<vmem_shared>>) offsets(%dma_start3A_20 : memref<1000xi32, #tpu.memory_space<vmem>>) semaphore(%arg10 : memref<!tpu.dma_semaphore, #tpu.memory_space<semaphore_mem>>) {add = true}
    %dma_start3A_24 = arith.constant 1 : i32
    %dma_start3A_25 = arith.constant 0 : i32
    %dma_start3A_26 = tpu.memref_slice %arg6[%dma_start3A_24, %dma_start3A_25] : memref<5x1000xi32, #tpu.memory_space<vmem>> -> memref<1x1000xi32, #tpu.memory_space<vmem>>
    %dma_start3A_27 = tpu.memref_squeeze %dma_start3A_26 : memref<1x1000xi32, #tpu.memory_space<vmem>> -> memref<1000xi32, #tpu.memory_space<vmem>>
    %dma_start3A_28 = arith.constant 0 : i32
    %dma_start3A_29 = arith.constant 0 : i32
    %dma_start3A_30 = tpu.memref_slice %arg5[%dma_start3A_28, %dma_start3A_29] : memref<10000x16xf32, #tpu.memory_space<vmem_shared>> -> memref<10000x16xf32, #tpu.memory_space<vmem_shared>>
    tpu.enqueue_indirect_dma source(%arg7 : memref<1000x16xf32, #tpu.memory_space<vmem>>) target(%dma_start3A_30 : memref<10000x16xf32, #tpu.memory_space<vmem_shared>>) offsets(%dma_start3A_27 : memref<1000xi32, #tpu.memory_space<vmem>>) semaphore(%arg10 : memref<!tpu.dma_semaphore, #tpu.memory_space<semaphore_mem>>) {add = true}
    %dma_start3A_31 = arith.constant 2 : i32
    %dma_start3A_32 = arith.constant 0 : i32
    %dma_start3A_33 = tpu.memref_slice %arg6[%dma_start3A_31, %dma_start3A_32] : memref<5x1000xi32, #tpu.memory_space<vmem>> -> memref<1x1000xi32, #tpu.memory_space<vmem>>
    %dma_start3A_34 = tpu.memref_squeeze %dma_start3A_33 : memref<1x1000xi32, #tpu.memory_space<vmem>> -> memref<1000xi32, #tpu.memory_space<vmem>>
    %dma_start3A_35 = arith.constant 0 : i32
    %dma_start3A_36 = arith.constant 0 : i32
    %dma_start3A_37 = tpu.memref_slice %arg5[%dma_start3A_35, %dma_start3A_36] : memref<10000x16xf32, #tpu.memory_space<vmem_shared>> -> memref<10000x16xf32, #tpu.memory_space<vmem_shared>>
    tpu.enqueue_indirect_dma source(%arg7 : memref<1000x16xf32, #tpu.memory_space<vmem>>) target(%dma_start3A_37 : memref<10000x16xf32, #tpu.memory_space<vmem_shared>>) offsets(%dma_start3A_34 : memref<1000xi32, #tpu.memory_space<vmem>>) semaphore(%arg10 : memref<!tpu.dma_semaphore, #tpu.memory_space<semaphore_mem>>) {add = true}
    %dma_start3A_38 = arith.constant 3 : i32
    %dma_start3A_39 = arith.constant 0 : i32
    %dma_start3A_40 = tpu.memref_slice %arg6[%dma_start3A_38, %dma_start3A_39] : memref<5x1000xi32, #tpu.memory_space<vmem>> -> memref<1x1000xi32, #tpu.memory_space<vmem>>
    %dma_start3A_41 = tpu.memref_squeeze %dma_start3A_40 : memref<1x1000xi32, #tpu.memory_space<vmem>> -> memref<1000xi32, #tpu.memory_space<vmem>>
    %dma_start3A_42 = arith.constant 0 : i32
    %dma_start3A_43 = arith.constant 0 : i32
    %dma_start3A_44 = tpu.memref_slice %arg5[%dma_start3A_42, %dma_start3A_43] : memref<10000x16xf32, #tpu.memory_space<vmem_shared>> -> memref<10000x16xf32, #tpu.memory_space<vmem_shared>>
    tpu.enqueue_indirect_dma source(%arg7 : memref<1000x16xf32, #tpu.memory_space<vmem>>) target(%dma_start3A_44 : memref<10000x16xf32, #tpu.memory_space<vmem_shared>>) offsets(%dma_start3A_41 : memref<1000xi32, #tpu.memory_space<vmem>>) semaphore(%arg10 : memref<!tpu.dma_semaphore, #tpu.memory_space<semaphore_mem>>) {add = true}
    %dma_start3A_45 = arith.constant 4 : i32
    %dma_start3A_46 = arith.constant 0 : i32
    %dma_start3A_47 = tpu.memref_slice %arg6[%dma_start3A_45, %dma_start3A_46] : memref<5x1000xi32, #tpu.memory_space<vmem>> -> memref<1x1000xi32, #tpu.memory_space<vmem>>
    %dma_start3A_48 = tpu.memref_squeeze %dma_start3A_47 : memref<1x1000xi32, #tpu.memory_space<vmem>> -> memref<1000xi32, #tpu.memory_space<vmem>>
    %dma_start3A_49 = arith.constant 0 : i32
    %dma_start3A_50 = arith.constant 0 : i32
    %dma_start3A_51 = tpu.memref_slice %arg5[%dma_start3A_49, %dma_start3A_50] : memref<10000x16xf32, #tpu.memory_space<vmem_shared>> -> memref<10000x16xf32, #tpu.memory_space<vmem_shared>>
    tpu.enqueue_indirect_dma source(%arg7 : memref<1000x16xf32, #tpu.memory_space<vmem>>) target(%dma_start3A_51 : memref<10000x16xf32, #tpu.memory_space<vmem_shared>>) offsets(%dma_start3A_48 : memref<1000xi32, #tpu.memory_space<vmem>>) semaphore(%arg10 : memref<!tpu.dma_semaphore, #tpu.memory_space<semaphore_mem>>) {add = true}
    %dma_wait3A_52 = arith.constant 0 : i32
    %dma_wait3A_53 = arith.constant 0 : i32
    %dma_wait3A_54 = tpu.memref_slice %arg6[%dma_wait3A_52, %dma_wait3A_53] : memref<5x1000xi32, #tpu.memory_space<vmem>> -> memref<1x1000xi32, #tpu.memory_space<vmem>>
    %dma_wait3A_55 = tpu.memref_squeeze %dma_wait3A_54 : memref<1x1000xi32, #tpu.memory_space<vmem>> -> memref<1000xi32, #tpu.memory_space<vmem>>
    %dma_wait3A_56 = arith.constant 0 : i32
    %dma_wait3A_57 = arith.constant 0 : i32
    %dma_wait3A_58 = tpu.memref_slice %arg5[%dma_wait3A_56, %dma_wait3A_57] : memref<10000x16xf32, #tpu.memory_space<vmem_shared>> -> memref<10000x16xf32, #tpu.memory_space<vmem_shared>>
    tpu.wait_indirect_dma semaphore(%arg10 : memref<!tpu.dma_semaphore, #tpu.memory_space<semaphore_mem>>) src(%arg7 : memref<1000x16xf32, #tpu.memory_space<vmem>>) dst(%dma_wait3A_58 : memref<10000x16xf32, #tpu.memory_space<vmem_shared>>)
    %dma_wait3A_59 = arith.constant 1 : i32
    %dma_wait3A_60 = arith.constant 0 : i32
    %dma_wait3A_61 = tpu.memref_slice %arg6[%dma_wait3A_59, %dma_wait3A_60] : memref<5x1000xi32, #tpu.memory_space<vmem>> -> memref<1x1000xi32, #tpu.memory_space<vmem>>
    %dma_wait3A_62 = tpu.memref_squeeze %dma_wait3A_61 : memref<1x1000xi32, #tpu.memory_space<vmem>> -> memref<1000xi32, #tpu.memory_space<vmem>>
    %dma_wait3A_63 = arith.constant 0 : i32
    %dma_wait3A_64 = arith.constant 0 : i32
    %dma_wait3A_65 = tpu.memref_slice %arg5[%dma_wait3A_63, %dma_wait3A_64] : memref<10000x16xf32, #tpu.memory_space<vmem_shared>> -> memref<10000x16xf32, #tpu.memory_space<vmem_shared>>
    tpu.wait_indirect_dma semaphore(%arg10 : memref<!tpu.dma_semaphore, #tpu.memory_space<semaphore_mem>>) src(%arg7 : memref<1000x16xf32, #tpu.memory_space<vmem>>) dst(%dma_wait3A_65 : memref<10000x16xf32, #tpu.memory_space<vmem_shared>>)
    %dma_wait3A_66 = arith.constant 2 : i32
    %dma_wait3A_67 = arith.constant 0 : i32
    %dma_wait3A_68 = tpu.memref_slice %arg6[%dma_wait3A_66, %dma_wait3A_67] : memref<5x1000xi32, #tpu.memory_space<vmem>> -> memref<1x1000xi32, #tpu.memory_space<vmem>>
    %dma_wait3A_69 = tpu.memref_squeeze %dma_wait3A_68 : memref<1x1000xi32, #tpu.memory_space<vmem>> -> memref<1000xi32, #tpu.memory_space<vmem>>
    %dma_wait3A_70 = arith.constant 0 : i32
    %dma_wait3A_71 = arith.constant 0 : i32
    %dma_wait3A_72 = tpu.memref_slice %arg5[%dma_wait3A_70, %dma_wait3A_71] : memref<10000x16xf32, #tpu.memory_space<vmem_shared>> -> memref<10000x16xf32, #tpu.memory_space<vmem_shared>>
    tpu.wait_indirect_dma semaphore(%arg10 : memref<!tpu.dma_semaphore, #tpu.memory_space<semaphore_mem>>) src(%arg7 : memref<1000x16xf32, #tpu.memory_space<vmem>>) dst(%dma_wait3A_72 : memref<10000x16xf32, #tpu.memory_space<vmem_shared>>)
    %dma_wait3A_73 = arith.constant 3 : i32
    %dma_wait3A_74 = arith.constant 0 : i32
    %dma_wait3A_75 = tpu.memref_slice %arg6[%dma_wait3A_73, %dma_wait3A_74] : memref<5x1000xi32, #tpu.memory_space<vmem>> -> memref<1x1000xi32, #tpu.memory_space<vmem>>
    %dma_wait3A_76 = tpu.memref_squeeze %dma_wait3A_75 : memref<1x1000xi32, #tpu.memory_space<vmem>> -> memref<1000xi32, #tpu.memory_space<vmem>>
    %dma_wait3A_77 = arith.constant 0 : i32
    %dma_wait3A_78 = arith.constant 0 : i32
    %dma_wait3A_79 = tpu.memref_slice %arg5[%dma_wait3A_77, %dma_wait3A_78] : memref<10000x16xf32, #tpu.memory_space<vmem_shared>> -> memref<10000x16xf32, #tpu.memory_space<vmem_shared>>
    tpu.wait_indirect_dma semaphore(%arg10 : memref<!tpu.dma_semaphore, #tpu.memory_space<semaphore_mem>>) src(%arg7 : memref<1000x16xf32, #tpu.memory_space<vmem>>) dst(%dma_wait3A_79 : memref<10000x16xf32, #tpu.memory_space<vmem_shared>>)
    %dma_wait3A_80 = arith.constant 4 : i32
    %dma_wait3A_81 = arith.constant 0 : i32
    %dma_wait3A_82 = tpu.memref_slice %arg6[%dma_wait3A_80, %dma_wait3A_81] : memref<5x1000xi32, #tpu.memory_space<vmem>> -> memref<1x1000xi32, #tpu.memory_space<vmem>>
    %dma_wait3A_83 = tpu.memref_squeeze %dma_wait3A_82 : memref<1x1000xi32, #tpu.memory_space<vmem>> -> memref<1000xi32, #tpu.memory_space<vmem>>
    %dma_wait3A_84 = arith.constant 0 : i32
    %dma_wait3A_85 = arith.constant 0 : i32
    %dma_wait3A_86 = tpu.memref_slice %arg5[%dma_wait3A_84, %dma_wait3A_85] : memref<10000x16xf32, #tpu.memory_space<vmem_shared>> -> memref<10000x16xf32, #tpu.memory_space<vmem_shared>>
    tpu.wait_indirect_dma semaphore(%arg10 : memref<!tpu.dma_semaphore, #tpu.memory_space<semaphore_mem>>) src(%arg7 : memref<1000x16xf32, #tpu.memory_space<vmem>>) dst(%dma_wait3A_86 : memref<10000x16xf32, #tpu.memory_space<vmem_shared>>)
    %barrier3A_87 = arith.constant 0 : index
    tpu.barrier barrier_id(%barrier3A_87)
    %lt3A_88 = arith.constant 15 : i32
    %lt3A_89 = arith.cmpi slt, %arg1, %lt3A_88 : i32
    %convert_element_type3A_90 = arith.extui %lt3A_89 : i1 to i32
    %cond3A_91 = arith.constant 0 : i32
    %cond3A_92 = arith.cmpi ne, %convert_element_type3A_90, %cond3A_91 : i32
    scf.if %cond3A_92 {
      "tpu.region"() ({
        %run_scoped3A = tpu.sem_alloc : memref<!tpu.dma_semaphore, #tpu.memory_space<semaphore_mem>>
        %dma_start3A_115 = arith.constant 0 : i32
        %dma_start3A_116 = arith.constant 0 : i32
        %dma_start3A_117 = tpu.memref_slice %arg8[%dma_start3A_115, %dma_start3A_116] : memref<640x16xf32, #tpu.memory_space<vmem>> -> memref<632x16xf32, #tpu.memory_space<vmem>>
        %dma_start3A_118 = arith.constant 0 : i32
        %dma_start3A_119 = tpu.memref_slice %arg5[%mul3A_0, %dma_start3A_118] : memref<10000x16xf32, #tpu.memory_space<vmem_shared>> -> memref<632x16xf32, #tpu.memory_space<vmem_shared>>
        %dma_start3A_120 = arith.constant 0 : i32
        %dma_start3A_121 = arith.constant 0 : i32
        %dma_start3A_122 = tpu.memref_slice %arg8[%dma_start3A_120, %dma_start3A_121] : memref<640x16xf32, #tpu.memory_space<vmem>> -> memref<632x16xf32, #tpu.memory_space<vmem>>
        %dma_start3A_123 = arith.constant 0 : i32
        %dma_start3A_124 = tpu.memref_slice %arg5[%mul3A_0, %dma_start3A_123] : memref<10000x16xf32, #tpu.memory_space<vmem_shared>> -> memref<632x16xf32, #tpu.memory_space<vmem_shared>>
        tpu.enqueue_dma source(%dma_start3A_124 : memref<632x16xf32, #tpu.memory_space<vmem_shared>>) target(%dma_start3A_122 : memref<632x16xf32, #tpu.memory_space<vmem>>) target_semaphore(%run_scoped3A : memref<!tpu.dma_semaphore, #tpu.memory_space<semaphore_mem>>)
        %dma_wait3A_125 = arith.constant 0 : i32
        %dma_wait3A_126 = arith.constant 0 : i32
        %dma_wait3A_127 = tpu.memref_slice %arg8[%dma_wait3A_125, %dma_wait3A_126] : memref<640x16xf32, #tpu.memory_space<vmem>> -> memref<632x16xf32, #tpu.memory_space<vmem>>
        %dma_wait3A_128 = arith.constant 0 : i32
        %dma_wait3A_129 = tpu.memref_slice %arg5[%mul3A_0, %dma_wait3A_128] : memref<10000x16xf32, #tpu.memory_space<vmem_shared>> -> memref<632x16xf32, #tpu.memory_space<vmem_shared>>
        %dma_wait3A_130 = arith.constant 0 : i32
        %dma_wait3A_131 = arith.constant 0 : i32
        %dma_wait3A_132 = tpu.memref_slice %arg8[%dma_wait3A_130, %dma_wait3A_131] : memref<640x16xf32, #tpu.memory_space<vmem>> -> memref<632x16xf32, #tpu.memory_space<vmem>>
        %dma_wait3A_133 = arith.constant 0 : i32
        %dma_wait3A_134 = tpu.memref_slice %arg5[%mul3A_0, %dma_wait3A_133] : memref<10000x16xf32, #tpu.memory_space<vmem_shared>> -> memref<632x16xf32, #tpu.memory_space<vmem_shared>>
        tpu.wait_dma2 semaphore(%run_scoped3A : memref<!tpu.dma_semaphore, #tpu.memory_space<semaphore_mem>>) src(%dma_wait3A_134 : memref<632x16xf32, #tpu.memory_space<vmem_shared>>) dst(%dma_wait3A_132 : memref<632x16xf32, #tpu.memory_space<vmem>>)
        tpu.yield
      }) : () -> ()
    } else {
    }
    %eq3A_93 = arith.constant 15 : i32
    %eq3A_94 = arith.cmpi eq, %arg1, %eq3A_93 : i32
    %convert_element_type3A_95 = arith.extui %eq3A_94 : i1 to i32
    %cond3A_96 = arith.constant 0 : i32
    %cond3A_97 = arith.cmpi ne, %convert_element_type3A_95, %cond3A_96 : i32
    scf.if %cond3A_97 {
      "tpu.region"() ({
        %run_scoped3A = tpu.sem_alloc : memref<!tpu.dma_semaphore, #tpu.memory_space<semaphore_mem>>
        %dma_start3A_115 = arith.constant 0 : i32
        %dma_start3A_116 = arith.constant 0 : i32
        %dma_start3A_117 = tpu.memref_slice %arg8[%dma_start3A_115, %dma_start3A_116] : memref<640x16xf32, #tpu.memory_space<vmem>> -> memref<520x16xf32, #tpu.memory_space<vmem>>
        %dma_start3A_118 = arith.constant 0 : i32
        %dma_start3A_119 = tpu.memref_slice %arg5[%mul3A_0, %dma_start3A_118] : memref<10000x16xf32, #tpu.memory_space<vmem_shared>> -> memref<520x16xf32, #tpu.memory_space<vmem_shared>>
        %dma_start3A_120 = arith.constant 0 : i32
        %dma_start3A_121 = arith.constant 0 : i32
        %dma_start3A_122 = tpu.memref_slice %arg8[%dma_start3A_120, %dma_start3A_121] : memref<640x16xf32, #tpu.memory_space<vmem>> -> memref<520x16xf32, #tpu.memory_space<vmem>>
        %dma_start3A_123 = arith.constant 0 : i32
        %dma_start3A_124 = tpu.memref_slice %arg5[%mul3A_0, %dma_start3A_123] : memref<10000x16xf32, #tpu.memory_space<vmem_shared>> -> memref<520x16xf32, #tpu.memory_space<vmem_shared>>
        tpu.enqueue_dma source(%dma_start3A_124 : memref<520x16xf32, #tpu.memory_space<vmem_shared>>) target(%dma_start3A_122 : memref<520x16xf32, #tpu.memory_space<vmem>>) target_semaphore(%run_scoped3A : memref<!tpu.dma_semaphore, #tpu.memory_space<semaphore_mem>>)
        %dma_wait3A_125 = arith.constant 0 : i32
        %dma_wait3A_126 = arith.constant 0 : i32
        %dma_wait3A_127 = tpu.memref_slice %arg8[%dma_wait3A_125, %dma_wait3A_126] : memref<640x16xf32, #tpu.memory_space<vmem>> -> memref<520x16xf32, #tpu.memory_space<vmem>>
        %dma_wait3A_128 = arith.constant 0 : i32
        %dma_wait3A_129 = tpu.memref_slice %arg5[%mul3A_0, %dma_wait3A_128] : memref<10000x16xf32, #tpu.memory_space<vmem_shared>> -> memref<520x16xf32, #tpu.memory_space<vmem_shared>>
        %dma_wait3A_130 = arith.constant 0 : i32
        %dma_wait3A_131 = arith.constant 0 : i32
        %dma_wait3A_132 = tpu.memref_slice %arg8[%dma_wait3A_130, %dma_wait3A_131] : memref<640x16xf32, #tpu.memory_space<vmem>> -> memref<520x16xf32, #tpu.memory_space<vmem>>
        %dma_wait3A_133 = arith.constant 0 : i32
        %dma_wait3A_134 = tpu.memref_slice %arg5[%mul3A_0, %dma_wait3A_133] : memref<10000x16xf32, #tpu.memory_space<vmem_shared>> -> memref<520x16xf32, #tpu.memory_space<vmem_shared>>
        tpu.wait_dma2 semaphore(%run_scoped3A : memref<!tpu.dma_semaphore, #tpu.memory_space<semaphore_mem>>) src(%dma_wait3A_134 : memref<520x16xf32, #tpu.memory_space<vmem_shared>>) dst(%dma_wait3A_132 : memref<520x16xf32, #tpu.memory_space<vmem>>)
        tpu.yield
      }) : () -> ()
    } else {
    }
    %broadcast_in_dim3A = arith.constant 0 : i32
    %broadcast_in_dim3A_98 = vector.broadcast %broadcast_in_dim3A : i32 to vector<16xi32>
    %scan3A = arith.constant 0 : i32
    %scan3A_99 = arith.constant 0 : i32
    %scan3A_100 = arith.constant 40 : i32
    %scan3A_101 = arith.addi %scan3A_99, %scan3A_100 : i32
    %scan3A_102 = arith.constant 1 : i32
    %scan3A_103 = scf.for %scan3A_115 = %scan3A_99 to %scan3A_101 step %scan3A_102 iter_args(%scan3A_116 = %scan3A) -> (i32)  : i32 {
      %mul3A_117 = arith.constant 16 : i32
      %mul3A_118 = arith.muli %scan3A_115, %mul3A_117 : i32
      %iota3A = tpu.iota {dimensions = array<i32: 0>} : vector<16xi32>
      %add3A_119 = vector.broadcast %mul3A_118 : i32 to vector<16xi32>
      %add3A_120 = arith.addi %add3A_119, %iota3A : vector<16xi32>
      %gather3A = tpu.vector_load_idx %arg8[%add3A_120, %broadcast_in_dim3A_98] : memref<640x16xf32, #tpu.memory_space<vmem>>[vector<16xi32>, vector<16xi32>], vector<16xf32>,
      %mul3A_121 = arith.constant 16 : i32
      %mul3A_122 = arith.muli %scan3A_115, %mul3A_121 : i32
      %swap3A = arith.index_cast %mul3A_122 : i32 to index
      %swap3A_123 = tpu.vector_load %arg9[%swap3A] {strides = array<i32>} : memref<640xf32, #tpu.memory_space<vmem>>, vector<16xf32>,
      tpu.vector_store %arg9[%swap3A], %gather3A {strides = array<i32>} : memref<640xf32, #tpu.memory_space<vmem>>, vector<16xf32>,
      %scan3A_124 = arith.constant 0 : i32
      scf.yield %scan3A_124 : i32
    }
    %scan3A_104 = arith.constant 40 : i32
    %lt3A_105 = arith.constant 15 : i32
    %lt3A_106 = arith.cmpi slt, %arg1, %lt3A_105 : i32
    %convert_element_type3A_107 = arith.extui %lt3A_106 : i1 to i32
    %cond3A_108 = arith.constant 0 : i32
    %cond3A_109 = arith.cmpi ne, %convert_element_type3A_107, %cond3A_108 : i32
    scf.if %cond3A_109 {
      %mul3A_115 = arith.constant 10000 : i32
      %mul3A_116 = arith.muli %arg0, %mul3A_115 : i32
      %add3A_117 = arith.addi %mul3A_116, %mul3A_0 : i32
      "tpu.region"() ({
        %run_scoped3A = tpu.sem_alloc : memref<!tpu.dma_semaphore, #tpu.memory_space<semaphore_mem>>
        %dma_start3A_118 = arith.constant 0 : i32
        %dma_start3A_119 = tpu.memref_slice %arg9[%dma_start3A_118] : memref<640xf32, #tpu.memory_space<vmem>> -> memref<632xf32, #tpu.memory_space<vmem>>
        %dma_start3A_120 = tpu.memref_slice %arg4[%add3A_117] : memref<20000xf32, #tpu.memory_space<hbm>> -> memref<632xf32, #tpu.memory_space<hbm>>
        %dma_start3A_121 = tpu.memref_slice %arg4[%add3A_117] : memref<20000xf32, #tpu.memory_space<hbm>> -> memref<632xf32, #tpu.memory_space<hbm>>
        %dma_start3A_122 = arith.constant 0 : i32
        %dma_start3A_123 = tpu.memref_slice %arg9[%dma_start3A_122] : memref<640xf32, #tpu.memory_space<vmem>> -> memref<632xf32, #tpu.memory_space<vmem>>
        tpu.enqueue_dma source(%dma_start3A_123 : memref<632xf32, #tpu.memory_space<vmem>>) target(%dma_start3A_121 : memref<632xf32, #tpu.memory_space<hbm>>) target_semaphore(%run_scoped3A : memref<!tpu.dma_semaphore, #tpu.memory_space<semaphore_mem>>)
        %dma_wait3A_124 = arith.constant 0 : i32
        %dma_wait3A_125 = tpu.memref_slice %arg9[%dma_wait3A_124] : memref<640xf32, #tpu.memory_space<vmem>> -> memref<632xf32, #tpu.memory_space<vmem>>
        %dma_wait3A_126 = tpu.memref_slice %arg4[%add3A_117] : memref<20000xf32, #tpu.memory_space<hbm>> -> memref<632xf32, #tpu.memory_space<hbm>>
        %dma_wait3A_127 = tpu.memref_slice %arg4[%add3A_117] : memref<20000xf32, #tpu.memory_space<hbm>> -> memref<632xf32, #tpu.memory_space<hbm>>
        %dma_wait3A_128 = arith.constant 0 : i32
        %dma_wait3A_129 = tpu.memref_slice %arg9[%dma_wait3A_128] : memref<640xf32, #tpu.memory_space<vmem>> -> memref<632xf32, #tpu.memory_space<vmem>>
        tpu.wait_dma2 semaphore(%run_scoped3A : memref<!tpu.dma_semaphore, #tpu.memory_space<semaphore_mem>>) src(%dma_wait3A_129 : memref<632xf32, #tpu.memory_space<vmem>>) dst(%dma_wait3A_127 : memref<632xf32, #tpu.memory_space<hbm>>)
        tpu.yield
      }) : () -> ()
    } else {
    }
    %eq3A_110 = arith.constant 15 : i32
    %eq3A_111 = arith.cmpi eq, %arg1, %eq3A_110 : i32
    %convert_element_type3A_112 = arith.extui %eq3A_111 : i1 to i32
    %cond3A_113 = arith.constant 0 : i32
    %cond3A_114 = arith.cmpi ne, %convert_element_type3A_112, %cond3A_113 : i32
    scf.if %cond3A_114 {
      %mul3A_115 = arith.constant 10000 : i32
      %mul3A_116 = arith.muli %arg0, %mul3A_115 : i32
      %add3A_117 = arith.addi %mul3A_116, %mul3A_0 : i32
      "tpu.region"() ({
        %run_scoped3A = tpu.sem_alloc : memref<!tpu.dma_semaphore, #tpu.memory_space<semaphore_mem>>
        %dma_start3A_118 = arith.constant 0 : i32
        %dma_start3A_119 = tpu.memref_slice %arg9[%dma_start3A_118] : memref<640xf32, #tpu.memory_space<vmem>> -> memref<520xf32, #tpu.memory_space<vmem>>
        %dma_start3A_120 = tpu.memref_slice %arg4[%add3A_117] : memref<20000xf32, #tpu.memory_space<hbm>> -> memref<520xf32, #tpu.memory_space<hbm>>
        %dma_start3A_121 = tpu.memref_slice %arg4[%add3A_117] : memref<20000xf32, #tpu.memory_space<hbm>> -> memref<520xf32, #tpu.memory_space<hbm>>
        %dma_start3A_122 = arith.constant 0 : i32
        %dma_start3A_123 = tpu.memref_slice %arg9[%dma_start3A_122] : memref<640xf32, #tpu.memory_space<vmem>> -> memref<520xf32, #tpu.memory_space<vmem>>
        tpu.enqueue_dma source(%dma_start3A_123 : memref<520xf32, #tpu.memory_space<vmem>>) target(%dma_start3A_121 : memref<520xf32, #tpu.memory_space<hbm>>) target_semaphore(%run_scoped3A : memref<!tpu.dma_semaphore, #tpu.memory_space<semaphore_mem>>)
        %dma_wait3A_124 = arith.constant 0 : i32
        %dma_wait3A_125 = tpu.memref_slice %arg9[%dma_wait3A_124] : memref<640xf32, #tpu.memory_space<vmem>> -> memref<520xf32, #tpu.memory_space<vmem>>
        %dma_wait3A_126 = tpu.memref_slice %arg4[%add3A_117] : memref<20000xf32, #tpu.memory_space<hbm>> -> memref<520xf32, #tpu.memory_space<hbm>>
        %dma_wait3A_127 = tpu.memref_slice %arg4[%add3A_117] : memref<20000xf32, #tpu.memory_space<hbm>> -> memref<520xf32, #tpu.memory_space<hbm>>
        %dma_wait3A_128 = arith.constant 0 : i32
        %dma_wait3A_129 = tpu.memref_slice %arg9[%dma_wait3A_128] : memref<640xf32, #tpu.memory_space<vmem>> -> memref<520xf32, #tpu.memory_space<vmem>>
        tpu.wait_dma2 semaphore(%run_scoped3A : memref<!tpu.dma_semaphore, #tpu.memory_space<semaphore_mem>>) src(%dma_wait3A_129 : memref<520xf32, #tpu.memory_space<vmem>>) dst(%dma_wait3A_127 : memref<520xf32, #tpu.memory_space<hbm>>)
        tpu.yield
      }) : () -> ()
    } else {
    }
    return
  }
}

#map = affine_map<(d0, d1) -> (0, 0)>
#map1 = affine_map<(d0, d1) -> (0, 0, 0)>
module attributes {stable_mosaic.version = 14 : i64} {
  func.func @_agg_kernel(%arg0: i32, %arg1: i32, %arg2: memref<20000x128xf32, #tpu.memory_space<hbm>>, %arg3: memref<2528x2x128xi32, #tpu.memory_space<hbm>>, %arg4: memref<10000x256xf32, #tpu.memory_space<hbm>>, %arg5: memref<10008x128xf32, #tpu.memory_space<vmem_shared>>, %arg6: memref<2x128xi32, #tpu.memory_space<vmem>>, %arg7: memref<2x128xi32, #tpu.memory_space<vmem>>, %arg8: memref<128x128xf32, #tpu.memory_space<vmem>>, %arg9: memref<128x128xf32, #tpu.memory_space<vmem>>, %arg10: memref<!tpu.dma_semaphore, #tpu.memory_space<semaphore_mem>>, %arg11: memref<!tpu.dma_semaphore, #tpu.memory_space<semaphore_mem>>, %arg12: memref<!tpu.dma_semaphore, #tpu.memory_space<semaphore_mem>>, %arg13: memref<!tpu.dma_semaphore, #tpu.memory_space<semaphore_mem>>) attributes {dimension_semantics = [#tpu.dimension_semantics<core_parallel>, #tpu.dimension_semantics<subcore_parallel>], iteration_bounds = array<i64: 2, 16>, scalar_prefetch = 0 : i64, scratch_operands = 9 : i64, tpu.core_type = #tpu.core_type<sc_vector_subcore>, window_params = [{transform_indices = #map}, {transform_indices = #map1}, {transform_indices = #map}]} {
    %mul3A = arith.constant 10000 : i32
    %mul3A_0 = arith.muli %arg0, %mul3A : i32
    %mul3A_1 = arith.constant 1264 : i32
    %mul3A_2 = arith.muli %arg0, %mul3A_1 : i32
    %mul3A_3 = arith.constant 79 : i32
    %mul3A_4 = arith.muli %arg1, %mul3A_3 : i32
    %add3A = arith.addi %mul3A_2, %mul3A_4 : i32
    %add3A_5 = arith.constant 0 : i32
    %add3A_6 = arith.addi %add3A, %add3A_5 : i32
    %dma_start3A = arith.constant 0 : i32
    %dma_start3A_7 = arith.constant 0 : i32
    %dma_start3A_8 = tpu.memref_slice %arg3[%add3A_6, %dma_start3A, %dma_start3A_7] : memref<2528x2x128xi32, #tpu.memory_space<hbm>> -> memref<1x2x128xi32, #tpu.memory_space<hbm>>
    %dma_start3A_9 = tpu.memref_squeeze %dma_start3A_8 : memref<1x2x128xi32, #tpu.memory_space<hbm>> -> memref<2x128xi32, #tpu.memory_space<hbm>>
    %dma_start3A_10 = arith.constant 0 : i32
    %dma_start3A_11 = arith.constant 0 : i32
    %dma_start3A_12 = tpu.memref_slice %arg3[%add3A_6, %dma_start3A_10, %dma_start3A_11] : memref<2528x2x128xi32, #tpu.memory_space<hbm>> -> memref<1x2x128xi32, #tpu.memory_space<hbm>>
    %dma_start3A_13 = tpu.memref_squeeze %dma_start3A_12 : memref<1x2x128xi32, #tpu.memory_space<hbm>> -> memref<2x128xi32, #tpu.memory_space<hbm>>
    tpu.enqueue_dma source(%dma_start3A_13 : memref<2x128xi32, #tpu.memory_space<hbm>>) target(%arg6 : memref<2x128xi32, #tpu.memory_space<vmem>>) target_semaphore(%arg10 : memref<!tpu.dma_semaphore, #tpu.memory_space<semaphore_mem>>)
    %add3A_14 = arith.constant 1 : i32
    %add3A_15 = arith.addi %add3A, %add3A_14 : i32
    %dma_start3A_16 = arith.constant 0 : i32
    %dma_start3A_17 = arith.constant 0 : i32
    %dma_start3A_18 = tpu.memref_slice %arg3[%add3A_15, %dma_start3A_16, %dma_start3A_17] : memref<2528x2x128xi32, #tpu.memory_space<hbm>> -> memref<1x2x128xi32, #tpu.memory_space<hbm>>
    %dma_start3A_19 = tpu.memref_squeeze %dma_start3A_18 : memref<1x2x128xi32, #tpu.memory_space<hbm>> -> memref<2x128xi32, #tpu.memory_space<hbm>>
    %dma_start3A_20 = arith.constant 0 : i32
    %dma_start3A_21 = arith.constant 0 : i32
    %dma_start3A_22 = tpu.memref_slice %arg3[%add3A_15, %dma_start3A_20, %dma_start3A_21] : memref<2528x2x128xi32, #tpu.memory_space<hbm>> -> memref<1x2x128xi32, #tpu.memory_space<hbm>>
    %dma_start3A_23 = tpu.memref_squeeze %dma_start3A_22 : memref<1x2x128xi32, #tpu.memory_space<hbm>> -> memref<2x128xi32, #tpu.memory_space<hbm>>
    tpu.enqueue_dma source(%dma_start3A_23 : memref<2x128xi32, #tpu.memory_space<hbm>>) target(%arg7 : memref<2x128xi32, #tpu.memory_space<vmem>>) target_semaphore(%arg11 : memref<!tpu.dma_semaphore, #tpu.memory_space<semaphore_mem>>)
    %add3A_24 = arith.constant 0 : i32
    %add3A_25 = arith.addi %add3A, %add3A_24 : i32
    %dma_wait3A = arith.constant 0 : i32
    %dma_wait3A_26 = arith.constant 0 : i32
    %dma_wait3A_27 = tpu.memref_slice %arg3[%add3A_25, %dma_wait3A, %dma_wait3A_26] : memref<2528x2x128xi32, #tpu.memory_space<hbm>> -> memref<1x2x128xi32, #tpu.memory_space<hbm>>
    %dma_wait3A_28 = tpu.memref_squeeze %dma_wait3A_27 : memref<1x2x128xi32, #tpu.memory_space<hbm>> -> memref<2x128xi32, #tpu.memory_space<hbm>>
    %dma_wait3A_29 = arith.constant 0 : i32
    %dma_wait3A_30 = arith.constant 0 : i32
    %dma_wait3A_31 = tpu.memref_slice %arg3[%add3A_25, %dma_wait3A_29, %dma_wait3A_30] : memref<2528x2x128xi32, #tpu.memory_space<hbm>> -> memref<1x2x128xi32, #tpu.memory_space<hbm>>
    %dma_wait3A_32 = tpu.memref_squeeze %dma_wait3A_31 : memref<1x2x128xi32, #tpu.memory_space<hbm>> -> memref<2x128xi32, #tpu.memory_space<hbm>>
    tpu.wait_dma2 semaphore(%arg10 : memref<!tpu.dma_semaphore, #tpu.memory_space<semaphore_mem>>) src(%dma_wait3A_32 : memref<2x128xi32, #tpu.memory_space<hbm>>) dst(%arg6 : memref<2x128xi32, #tpu.memory_space<vmem>>)
    %dma_start3A_33 = arith.constant 0 : i32
    %dma_start3A_34 = arith.constant 0 : i32
    %dma_start3A_35 = tpu.memref_slice %arg6[%dma_start3A_33, %dma_start3A_34] : memref<2x128xi32, #tpu.memory_space<vmem>> -> memref<1x128xi32, #tpu.memory_space<vmem>>
    %dma_start3A_36 = tpu.memref_squeeze %dma_start3A_35 : memref<1x128xi32, #tpu.memory_space<vmem>> -> memref<128xi32, #tpu.memory_space<vmem>>
    %dma_start3A_37 = arith.constant 0 : i32
    %dma_start3A_38 = arith.constant 0 : i32
    %dma_start3A_39 = tpu.memref_slice %arg2[%dma_start3A_37, %dma_start3A_38] : memref<20000x128xf32, #tpu.memory_space<hbm>> -> memref<20000x128xf32, #tpu.memory_space<hbm>>
    tpu.enqueue_indirect_dma source(%dma_start3A_39 : memref<20000x128xf32, #tpu.memory_space<hbm>>) target(%arg8 : memref<128x128xf32, #tpu.memory_space<vmem>>) offsets(%dma_start3A_36 : memref<128xi32, #tpu.memory_space<vmem>>) semaphore(%arg12 : memref<!tpu.dma_semaphore, #tpu.memory_space<semaphore_mem>>)
    %mul3A_40 = arith.constant 632 : i32
    %mul3A_41 = arith.muli %arg1, %mul3A_40 : i32
    %lt3A = arith.constant 15 : i32
    %lt3A_42 = arith.cmpi slt, %arg1, %lt3A : i32
    %convert_element_type3A = arith.extui %lt3A_42 : i1 to i32
    %cond3A = arith.constant 0 : i32
    %cond3A_43 = arith.cmpi ne, %convert_element_type3A, %cond3A : i32
    scf.if %cond3A_43 {
      %add3A_76 = arith.addi %mul3A_0, %mul3A_41 : i32
      %add3A_77 = arith.constant 0 : i32
      %add3A_78 = arith.addi %add3A_77, %mul3A_41 : i32
      "tpu.region"() ({
        %run_scoped3A_79 = tpu.sem_alloc : memref<!tpu.dma_semaphore, #tpu.memory_space<semaphore_mem>>
        %dma_start3A_80 = arith.constant 0 : i32
        %dma_start3A_81 = tpu.memref_slice %arg5[%add3A_78, %dma_start3A_80] : memref<10008x128xf32, #tpu.memory_space<vmem_shared>> -> memref<632x128xf32, #tpu.memory_space<vmem_shared>>
        %dma_start3A_82 = arith.constant 0 : i32
        %dma_start3A_83 = tpu.memref_slice %arg2[%add3A_76, %dma_start3A_82] : memref<20000x128xf32, #tpu.memory_space<hbm>> -> memref<632x128xf32, #tpu.memory_space<hbm>>
        tpu.enqueue_dma source(%dma_start3A_83 : memref<632x128xf32, #tpu.memory_space<hbm>>) target(%dma_start3A_81 : memref<632x128xf32, #tpu.memory_space<vmem_shared>>) target_semaphore(%run_scoped3A_79 : memref<!tpu.dma_semaphore, #tpu.memory_space<semaphore_mem>>)
        %dma_wait3A_84 = arith.constant 0 : i32
        %dma_wait3A_85 = tpu.memref_slice %arg5[%add3A_78, %dma_wait3A_84] : memref<10008x128xf32, #tpu.memory_space<vmem_shared>> -> memref<632x128xf32, #tpu.memory_space<vmem_shared>>
        %dma_wait3A_86 = arith.constant 0 : i32
        %dma_wait3A_87 = tpu.memref_slice %arg2[%add3A_76, %dma_wait3A_86] : memref<20000x128xf32, #tpu.memory_space<hbm>> -> memref<632x128xf32, #tpu.memory_space<hbm>>
        tpu.wait_dma2 semaphore(%run_scoped3A_79 : memref<!tpu.dma_semaphore, #tpu.memory_space<semaphore_mem>>) src(%dma_wait3A_87 : memref<632x128xf32, #tpu.memory_space<hbm>>) dst(%dma_wait3A_85 : memref<632x128xf32, #tpu.memory_space<vmem_shared>>)
        tpu.yield
      }) : () -> ()
    } else {
    }
    %eq3A = arith.constant 15 : i32
    %eq3A_44 = arith.cmpi eq, %arg1, %eq3A : i32
    %convert_element_type3A_45 = arith.extui %eq3A_44 : i1 to i32
    %cond3A_46 = arith.constant 0 : i32
    %cond3A_47 = arith.cmpi ne, %convert_element_type3A_45, %cond3A_46 : i32
    scf.if %cond3A_47 {
      %add3A_76 = arith.addi %mul3A_0, %mul3A_41 : i32
      %add3A_77 = arith.constant 0 : i32
      %add3A_78 = arith.addi %add3A_77, %mul3A_41 : i32
      "tpu.region"() ({
        %run_scoped3A_79 = tpu.sem_alloc : memref<!tpu.dma_semaphore, #tpu.memory_space<semaphore_mem>>
        %dma_start3A_80 = arith.constant 0 : i32
        %dma_start3A_81 = tpu.memref_slice %arg5[%add3A_78, %dma_start3A_80] : memref<10008x128xf32, #tpu.memory_space<vmem_shared>> -> memref<520x128xf32, #tpu.memory_space<vmem_shared>>
        %dma_start3A_82 = arith.constant 0 : i32
        %dma_start3A_83 = tpu.memref_slice %arg2[%add3A_76, %dma_start3A_82] : memref<20000x128xf32, #tpu.memory_space<hbm>> -> memref<520x128xf32, #tpu.memory_space<hbm>>
        tpu.enqueue_dma source(%dma_start3A_83 : memref<520x128xf32, #tpu.memory_space<hbm>>) target(%dma_start3A_81 : memref<520x128xf32, #tpu.memory_space<vmem_shared>>) target_semaphore(%run_scoped3A_79 : memref<!tpu.dma_semaphore, #tpu.memory_space<semaphore_mem>>)
        %dma_wait3A_84 = arith.constant 0 : i32
        %dma_wait3A_85 = tpu.memref_slice %arg5[%add3A_78, %dma_wait3A_84] : memref<10008x128xf32, #tpu.memory_space<vmem_shared>> -> memref<520x128xf32, #tpu.memory_space<vmem_shared>>
        %dma_wait3A_86 = arith.constant 0 : i32
        %dma_wait3A_87 = tpu.memref_slice %arg2[%add3A_76, %dma_wait3A_86] : memref<20000x128xf32, #tpu.memory_space<hbm>> -> memref<520x128xf32, #tpu.memory_space<hbm>>
        tpu.wait_dma2 semaphore(%run_scoped3A_79 : memref<!tpu.dma_semaphore, #tpu.memory_space<semaphore_mem>>) src(%dma_wait3A_87 : memref<520x128xf32, #tpu.memory_space<hbm>>) dst(%dma_wait3A_85 : memref<520x128xf32, #tpu.memory_space<vmem_shared>>)
        tpu.yield
      }) : () -> ()
    } else {
    }
    %barrier3A = arith.constant 0 : index
    tpu.barrier barrier_id(%barrier3A)
    %scan3A = arith.constant 0 : i32
    %scan3A_48 = arith.constant 0 : i32
    %scan3A_49 = arith.constant 39 : i32
    %scan3A_50 = arith.addi %scan3A_48, %scan3A_49 : i32
    %scan3A_51 = arith.constant 1 : i32
    %scan3A_52 = scf.for %scan3A_76 = %scan3A_48 to %scan3A_50 step %scan3A_51 iter_args(%scan3A_77 = %scan3A) -> (i32)  : i32 {
      %mul3A_78 = arith.constant 2 : i32
      %mul3A_79 = arith.muli %mul3A_78, %scan3A_76 : i32
      %add3A_80 = arith.constant 1 : i32
      %add3A_81 = arith.addi %add3A_80, %mul3A_79 : i32
      %add3A_82 = arith.addi %add3A, %add3A_81 : i32
      %dma_wait3A_83 = arith.constant 0 : i32
      %dma_wait3A_84 = arith.constant 0 : i32
      %dma_wait3A_85 = tpu.memref_slice %arg3[%add3A_82, %dma_wait3A_83, %dma_wait3A_84] : memref<2528x2x128xi32, #tpu.memory_space<hbm>> -> memref<1x2x128xi32, #tpu.memory_space<hbm>>
      %dma_wait3A_86 = tpu.memref_squeeze %dma_wait3A_85 : memref<1x2x128xi32, #tpu.memory_space<hbm>> -> memref<2x128xi32, #tpu.memory_space<hbm>>
      %dma_wait3A_87 = arith.constant 0 : i32
      %dma_wait3A_88 = arith.constant 0 : i32
      %dma_wait3A_89 = tpu.memref_slice %arg3[%add3A_82, %dma_wait3A_87, %dma_wait3A_88] : memref<2528x2x128xi32, #tpu.memory_space<hbm>> -> memref<1x2x128xi32, #tpu.memory_space<hbm>>
      %dma_wait3A_90 = tpu.memref_squeeze %dma_wait3A_89 : memref<1x2x128xi32, #tpu.memory_space<hbm>> -> memref<2x128xi32, #tpu.memory_space<hbm>>
      tpu.wait_dma2 semaphore(%arg11 : memref<!tpu.dma_semaphore, #tpu.memory_space<semaphore_mem>>) src(%dma_wait3A_90 : memref<2x128xi32, #tpu.memory_space<hbm>>) dst(%arg7 : memref<2x128xi32, #tpu.memory_space<vmem>>)
      %dma_start3A_91 = arith.constant 0 : i32
      %dma_start3A_92 = arith.constant 0 : i32
      %dma_start3A_93 = tpu.memref_slice %arg7[%dma_start3A_91, %dma_start3A_92] : memref<2x128xi32, #tpu.memory_space<vmem>> -> memref<1x128xi32, #tpu.memory_space<vmem>>
      %dma_start3A_94 = tpu.memref_squeeze %dma_start3A_93 : memref<1x128xi32, #tpu.memory_space<vmem>> -> memref<128xi32, #tpu.memory_space<vmem>>
      %dma_start3A_95 = arith.constant 0 : i32
      %dma_start3A_96 = arith.constant 0 : i32
      %dma_start3A_97 = tpu.memref_slice %arg2[%dma_start3A_95, %dma_start3A_96] : memref<20000x128xf32, #tpu.memory_space<hbm>> -> memref<20000x128xf32, #tpu.memory_space<hbm>>
      tpu.enqueue_indirect_dma source(%dma_start3A_97 : memref<20000x128xf32, #tpu.memory_space<hbm>>) target(%arg9 : memref<128x128xf32, #tpu.memory_space<vmem>>) offsets(%dma_start3A_94 : memref<128xi32, #tpu.memory_space<vmem>>) semaphore(%arg13 : memref<!tpu.dma_semaphore, #tpu.memory_space<semaphore_mem>>)
      %dma_wait3A_98 = arith.constant 0 : i32
      %dma_wait3A_99 = arith.constant 0 : i32
      %dma_wait3A_100 = tpu.memref_slice %arg6[%dma_wait3A_98, %dma_wait3A_99] : memref<2x128xi32, #tpu.memory_space<vmem>> -> memref<1x128xi32, #tpu.memory_space<vmem>>
      %dma_wait3A_101 = tpu.memref_squeeze %dma_wait3A_100 : memref<1x128xi32, #tpu.memory_space<vmem>> -> memref<128xi32, #tpu.memory_space<vmem>>
      %dma_wait3A_102 = arith.constant 0 : i32
      %dma_wait3A_103 = arith.constant 0 : i32
      %dma_wait3A_104 = tpu.memref_slice %arg2[%dma_wait3A_102, %dma_wait3A_103] : memref<20000x128xf32, #tpu.memory_space<hbm>> -> memref<20000x128xf32, #tpu.memory_space<hbm>>
      tpu.wait_indirect_dma semaphore(%arg12 : memref<!tpu.dma_semaphore, #tpu.memory_space<semaphore_mem>>) src(%dma_wait3A_104 : memref<20000x128xf32, #tpu.memory_space<hbm>>) dst(%arg8 : memref<128x128xf32, #tpu.memory_space<vmem>>)
      %run_scoped3A_105 = arith.constant 1 : i32
      "tpu.region"() ({
        %run_scoped3A_149 = tpu.sem_alloc : memref<!tpu.dma_semaphore, #tpu.memory_space<semaphore_mem>>
        %dma_start3A_150 = arith.constant 0 : i32
        %dma_start3A_151 = tpu.memref_slice %arg6[%run_scoped3A_105, %dma_start3A_150] : memref<2x128xi32, #tpu.memory_space<vmem>> -> memref<1x128xi32, #tpu.memory_space<vmem>>
        %dma_start3A_152 = tpu.memref_squeeze %dma_start3A_151 : memref<1x128xi32, #tpu.memory_space<vmem>> -> memref<128xi32, #tpu.memory_space<vmem>>
        %dma_start3A_153 = arith.constant 0 : i32
        %dma_start3A_154 = arith.constant 0 : i32
        %dma_start3A_155 = tpu.memref_slice %arg5[%dma_start3A_153, %dma_start3A_154] : memref<10008x128xf32, #tpu.memory_space<vmem_shared>> -> memref<10008x128xf32, #tpu.memory_space<vmem_shared>>
        tpu.enqueue_indirect_dma source(%arg8 : memref<128x128xf32, #tpu.memory_space<vmem>>) target(%dma_start3A_155 : memref<10008x128xf32, #tpu.memory_space<vmem_shared>>) offsets(%dma_start3A_152 : memref<128xi32, #tpu.memory_space<vmem>>) semaphore(%run_scoped3A_149 : memref<!tpu.dma_semaphore, #tpu.memory_space<semaphore_mem>>) {add = true}
        %dma_wait3A_156 = arith.constant 0 : i32
        %dma_wait3A_157 = tpu.memref_slice %arg6[%run_scoped3A_105, %dma_wait3A_156] : memref<2x128xi32, #tpu.memory_space<vmem>> -> memref<1x128xi32, #tpu.memory_space<vmem>>
        %dma_wait3A_158 = tpu.memref_squeeze %dma_wait3A_157 : memref<1x128xi32, #tpu.memory_space<vmem>> -> memref<128xi32, #tpu.memory_space<vmem>>
        %dma_wait3A_159 = arith.constant 0 : i32
        %dma_wait3A_160 = arith.constant 0 : i32
        %dma_wait3A_161 = tpu.memref_slice %arg5[%dma_wait3A_159, %dma_wait3A_160] : memref<10008x128xf32, #tpu.memory_space<vmem_shared>> -> memref<10008x128xf32, #tpu.memory_space<vmem_shared>>
        tpu.wait_indirect_dma semaphore(%run_scoped3A_149 : memref<!tpu.dma_semaphore, #tpu.memory_space<semaphore_mem>>) src(%arg8 : memref<128x128xf32, #tpu.memory_space<vmem>>) dst(%dma_wait3A_161 : memref<10008x128xf32, #tpu.memory_space<vmem_shared>>)
        tpu.yield
      }) : () -> ()
      %add3A_106 = arith.constant 1 : i32
      %add3A_107 = arith.addi %add3A_81, %add3A_106 : i32
      %add3A_108 = arith.addi %add3A, %add3A_107 : i32
      %dma_start3A_109 = arith.constant 0 : i32
      %dma_start3A_110 = arith.constant 0 : i32
      %dma_start3A_111 = tpu.memref_slice %arg3[%add3A_108, %dma_start3A_109, %dma_start3A_110] : memref<2528x2x128xi32, #tpu.memory_space<hbm>> -> memref<1x2x128xi32, #tpu.memory_space<hbm>>
      %dma_start3A_112 = tpu.memref_squeeze %dma_start3A_111 : memref<1x2x128xi32, #tpu.memory_space<hbm>> -> memref<2x128xi32, #tpu.memory_space<hbm>>
      %dma_start3A_113 = arith.constant 0 : i32
      %dma_start3A_114 = arith.constant 0 : i32
      %dma_start3A_115 = tpu.memref_slice %arg3[%add3A_108, %dma_start3A_113, %dma_start3A_114] : memref<2528x2x128xi32, #tpu.memory_space<hbm>> -> memref<1x2x128xi32, #tpu.memory_space<hbm>>
      %dma_start3A_116 = tpu.memref_squeeze %dma_start3A_115 : memref<1x2x128xi32, #tpu.memory_space<hbm>> -> memref<2x128xi32, #tpu.memory_space<hbm>>
      tpu.enqueue_dma source(%dma_start3A_116 : memref<2x128xi32, #tpu.memory_space<hbm>>) target(%arg6 : memref<2x128xi32, #tpu.memory_space<vmem>>) target_semaphore(%arg10 : memref<!tpu.dma_semaphore, #tpu.memory_space<semaphore_mem>>)
      %add3A_117 = arith.constant 1 : i32
      %add3A_118 = arith.addi %add3A_81, %add3A_117 : i32
      %add3A_119 = arith.addi %add3A, %add3A_118 : i32
      %dma_wait3A_120 = arith.constant 0 : i32
      %dma_wait3A_121 = arith.constant 0 : i32
      %dma_wait3A_122 = tpu.memref_slice %arg3[%add3A_119, %dma_wait3A_120, %dma_wait3A_121] : memref<2528x2x128xi32, #tpu.memory_space<hbm>> -> memref<1x2x128xi32, #tpu.memory_space<hbm>>
      %dma_wait3A_123 = tpu.memref_squeeze %dma_wait3A_122 : memref<1x2x128xi32, #tpu.memory_space<hbm>> -> memref<2x128xi32, #tpu.memory_space<hbm>>
      %dma_wait3A_124 = arith.constant 0 : i32
      %dma_wait3A_125 = arith.constant 0 : i32
      %dma_wait3A_126 = tpu.memref_slice %arg3[%add3A_119, %dma_wait3A_124, %dma_wait3A_125] : memref<2528x2x128xi32, #tpu.memory_space<hbm>> -> memref<1x2x128xi32, #tpu.memory_space<hbm>>
      %dma_wait3A_127 = tpu.memref_squeeze %dma_wait3A_126 : memref<1x2x128xi32, #tpu.memory_space<hbm>> -> memref<2x128xi32, #tpu.memory_space<hbm>>
      tpu.wait_dma2 semaphore(%arg10 : memref<!tpu.dma_semaphore, #tpu.memory_space<semaphore_mem>>) src(%dma_wait3A_127 : memref<2x128xi32, #tpu.memory_space<hbm>>) dst(%arg6 : memref<2x128xi32, #tpu.memory_space<vmem>>)
      %dma_start3A_128 = arith.constant 0 : i32
      %dma_start3A_129 = arith.constant 0 : i32
      %dma_start3A_130 = tpu.memref_slice %arg6[%dma_start3A_128, %dma_start3A_129] : memref<2x128xi32, #tpu.memory_space<vmem>> -> memref<1x128xi32, #tpu.memory_space<vmem>>
      %dma_start3A_131 = tpu.memref_squeeze %dma_start3A_130 : memref<1x128xi32, #tpu.memory_space<vmem>> -> memref<128xi32, #tpu.memory_space<vmem>>
      %dma_start3A_132 = arith.constant 0 : i32
      %dma_start3A_133 = arith.constant 0 : i32
      %dma_start3A_134 = tpu.memref_slice %arg2[%dma_start3A_132, %dma_start3A_133] : memref<20000x128xf32, #tpu.memory_space<hbm>> -> memref<20000x128xf32, #tpu.memory_space<hbm>>
      tpu.enqueue_indirect_dma source(%dma_start3A_134 : memref<20000x128xf32, #tpu.memory_space<hbm>>) target(%arg8 : memref<128x128xf32, #tpu.memory_space<vmem>>) offsets(%dma_start3A_131 : memref<128xi32, #tpu.memory_space<vmem>>) semaphore(%arg12 : memref<!tpu.dma_semaphore, #tpu.memory_space<semaphore_mem>>)
      %dma_wait3A_135 = arith.constant 0 : i32
      %dma_wait3A_136 = arith.constant 0 : i32
      %dma_wait3A_137 = tpu.memref_slice %arg7[%dma_wait3A_135, %dma_wait3A_136] : memref<2x128xi32, #tpu.memory_space<vmem>> -> memref<1x128xi32, #tpu.memory_space<vmem>>
      %dma_wait3A_138 = tpu.memref_squeeze %dma_wait3A_137 : memref<1x128xi32, #tpu.memory_space<vmem>> -> memref<128xi32, #tpu.memory_space<vmem>>
      %dma_wait3A_139 = arith.constant 0 : i32
      %dma_wait3A_140 = arith.constant 0 : i32
      %dma_wait3A_141 = tpu.memref_slice %arg2[%dma_wait3A_139, %dma_wait3A_140] : memref<20000x128xf32, #tpu.memory_space<hbm>> -> memref<20000x128xf32, #tpu.memory_space<hbm>>
      tpu.wait_indirect_dma semaphore(%arg13 : memref<!tpu.dma_semaphore, #tpu.memory_space<semaphore_mem>>) src(%dma_wait3A_141 : memref<20000x128xf32, #tpu.memory_space<hbm>>) dst(%arg9 : memref<128x128xf32, #tpu.memory_space<vmem>>)
      %run_scoped3A_142 = arith.constant 1 : i32
      "tpu.region"() ({
        %run_scoped3A_149 = tpu.sem_alloc : memref<!tpu.dma_semaphore, #tpu.memory_space<semaphore_mem>>
        %dma_start3A_150 = arith.constant 0 : i32
        %dma_start3A_151 = tpu.memref_slice %arg7[%run_scoped3A_142, %dma_start3A_150] : memref<2x128xi32, #tpu.memory_space<vmem>> -> memref<1x128xi32, #tpu.memory_space<vmem>>
        %dma_start3A_152 = tpu.memref_squeeze %dma_start3A_151 : memref<1x128xi32, #tpu.memory_space<vmem>> -> memref<128xi32, #tpu.memory_space<vmem>>
        %dma_start3A_153 = arith.constant 0 : i32
        %dma_start3A_154 = arith.constant 0 : i32
        %dma_start3A_155 = tpu.memref_slice %arg5[%dma_start3A_153, %dma_start3A_154] : memref<10008x128xf32, #tpu.memory_space<vmem_shared>> -> memref<10008x128xf32, #tpu.memory_space<vmem_shared>>
        tpu.enqueue_indirect_dma source(%arg9 : memref<128x128xf32, #tpu.memory_space<vmem>>) target(%dma_start3A_155 : memref<10008x128xf32, #tpu.memory_space<vmem_shared>>) offsets(%dma_start3A_152 : memref<128xi32, #tpu.memory_space<vmem>>) semaphore(%run_scoped3A_149 : memref<!tpu.dma_semaphore, #tpu.memory_space<semaphore_mem>>) {add = true}
        %dma_wait3A_156 = arith.constant 0 : i32
        %dma_wait3A_157 = tpu.memref_slice %arg7[%run_scoped3A_142, %dma_wait3A_156] : memref<2x128xi32, #tpu.memory_space<vmem>> -> memref<1x128xi32, #tpu.memory_space<vmem>>
        %dma_wait3A_158 = tpu.memref_squeeze %dma_wait3A_157 : memref<1x128xi32, #tpu.memory_space<vmem>> -> memref<128xi32, #tpu.memory_space<vmem>>
        %dma_wait3A_159 = arith.constant 0 : i32
        %dma_wait3A_160 = arith.constant 0 : i32
        %dma_wait3A_161 = tpu.memref_slice %arg5[%dma_wait3A_159, %dma_wait3A_160] : memref<10008x128xf32, #tpu.memory_space<vmem_shared>> -> memref<10008x128xf32, #tpu.memory_space<vmem_shared>>
        tpu.wait_indirect_dma semaphore(%run_scoped3A_149 : memref<!tpu.dma_semaphore, #tpu.memory_space<semaphore_mem>>) src(%arg9 : memref<128x128xf32, #tpu.memory_space<vmem>>) dst(%dma_wait3A_161 : memref<10008x128xf32, #tpu.memory_space<vmem_shared>>)
        tpu.yield
      }) : () -> ()
      %lt3A_143 = arith.constant 38 : i32
      %lt3A_144 = arith.cmpi slt, %scan3A_76, %lt3A_143 : i32
      %convert_element_type3A_145 = arith.extui %lt3A_144 : i1 to i32
      %cond3A_146 = arith.constant 0 : i32
      %cond3A_147 = arith.cmpi ne, %convert_element_type3A_145, %cond3A_146 : i32
      scf.if %cond3A_147 {
        %add3A_149 = arith.constant 2 : i32
        %add3A_150 = arith.addi %add3A_81, %add3A_149 : i32
        %add3A_151 = arith.addi %add3A, %add3A_150 : i32
        %dma_start3A_152 = arith.constant 0 : i32
        %dma_start3A_153 = arith.constant 0 : i32
        %dma_start3A_154 = tpu.memref_slice %arg3[%add3A_151, %dma_start3A_152, %dma_start3A_153] : memref<2528x2x128xi32, #tpu.memory_space<hbm>> -> memref<1x2x128xi32, #tpu.memory_space<hbm>>
        %dma_start3A_155 = tpu.memref_squeeze %dma_start3A_154 : memref<1x2x128xi32, #tpu.memory_space<hbm>> -> memref<2x128xi32, #tpu.memory_space<hbm>>
        %dma_start3A_156 = arith.constant 0 : i32
        %dma_start3A_157 = arith.constant 0 : i32
        %dma_start3A_158 = tpu.memref_slice %arg3[%add3A_151, %dma_start3A_156, %dma_start3A_157] : memref<2528x2x128xi32, #tpu.memory_space<hbm>> -> memref<1x2x128xi32, #tpu.memory_space<hbm>>
        %dma_start3A_159 = tpu.memref_squeeze %dma_start3A_158 : memref<1x2x128xi32, #tpu.memory_space<hbm>> -> memref<2x128xi32, #tpu.memory_space<hbm>>
        tpu.enqueue_dma source(%dma_start3A_159 : memref<2x128xi32, #tpu.memory_space<hbm>>) target(%arg7 : memref<2x128xi32, #tpu.memory_space<vmem>>) target_semaphore(%arg11 : memref<!tpu.dma_semaphore, #tpu.memory_space<semaphore_mem>>)
      } else {
      }
      %scan3A_148 = arith.constant 0 : i32
      scf.yield %scan3A_148 : i32
    }
    %scan3A_53 = arith.constant 39 : i32
    %dma_wait3A_54 = arith.constant 0 : i32
    %dma_wait3A_55 = arith.constant 0 : i32
    %dma_wait3A_56 = tpu.memref_slice %arg6[%dma_wait3A_54, %dma_wait3A_55] : memref<2x128xi32, #tpu.memory_space<vmem>> -> memref<1x128xi32, #tpu.memory_space<vmem>>
    %dma_wait3A_57 = tpu.memref_squeeze %dma_wait3A_56 : memref<1x128xi32, #tpu.memory_space<vmem>> -> memref<128xi32, #tpu.memory_space<vmem>>
    %dma_wait3A_58 = arith.constant 0 : i32
    %dma_wait3A_59 = arith.constant 0 : i32
    %dma_wait3A_60 = tpu.memref_slice %arg2[%dma_wait3A_58, %dma_wait3A_59] : memref<20000x128xf32, #tpu.memory_space<hbm>> -> memref<20000x128xf32, #tpu.memory_space<hbm>>
    tpu.wait_indirect_dma semaphore(%arg12 : memref<!tpu.dma_semaphore, #tpu.memory_space<semaphore_mem>>) src(%dma_wait3A_60 : memref<20000x128xf32, #tpu.memory_space<hbm>>) dst(%arg8 : memref<128x128xf32, #tpu.memory_space<vmem>>)
    %run_scoped3A = arith.constant 1 : i32
    "tpu.region"() ({
      %run_scoped3A_76 = tpu.sem_alloc : memref<!tpu.dma_semaphore, #tpu.memory_space<semaphore_mem>>
      %dma_start3A_77 = arith.constant 0 : i32
      %dma_start3A_78 = tpu.memref_slice %arg6[%run_scoped3A, %dma_start3A_77] : memref<2x128xi32, #tpu.memory_space<vmem>> -> memref<1x128xi32, #tpu.memory_space<vmem>>
      %dma_start3A_79 = tpu.memref_squeeze %dma_start3A_78 : memref<1x128xi32, #tpu.memory_space<vmem>> -> memref<128xi32, #tpu.memory_space<vmem>>
      %dma_start3A_80 = arith.constant 0 : i32
      %dma_start3A_81 = arith.constant 0 : i32
      %dma_start3A_82 = tpu.memref_slice %arg5[%dma_start3A_80, %dma_start3A_81] : memref<10008x128xf32, #tpu.memory_space<vmem_shared>> -> memref<10008x128xf32, #tpu.memory_space<vmem_shared>>
      tpu.enqueue_indirect_dma source(%arg8 : memref<128x128xf32, #tpu.memory_space<vmem>>) target(%dma_start3A_82 : memref<10008x128xf32, #tpu.memory_space<vmem_shared>>) offsets(%dma_start3A_79 : memref<128xi32, #tpu.memory_space<vmem>>) semaphore(%run_scoped3A_76 : memref<!tpu.dma_semaphore, #tpu.memory_space<semaphore_mem>>) {add = true}
      %dma_wait3A_83 = arith.constant 0 : i32
      %dma_wait3A_84 = tpu.memref_slice %arg6[%run_scoped3A, %dma_wait3A_83] : memref<2x128xi32, #tpu.memory_space<vmem>> -> memref<1x128xi32, #tpu.memory_space<vmem>>
      %dma_wait3A_85 = tpu.memref_squeeze %dma_wait3A_84 : memref<1x128xi32, #tpu.memory_space<vmem>> -> memref<128xi32, #tpu.memory_space<vmem>>
      %dma_wait3A_86 = arith.constant 0 : i32
      %dma_wait3A_87 = arith.constant 0 : i32
      %dma_wait3A_88 = tpu.memref_slice %arg5[%dma_wait3A_86, %dma_wait3A_87] : memref<10008x128xf32, #tpu.memory_space<vmem_shared>> -> memref<10008x128xf32, #tpu.memory_space<vmem_shared>>
      tpu.wait_indirect_dma semaphore(%run_scoped3A_76 : memref<!tpu.dma_semaphore, #tpu.memory_space<semaphore_mem>>) src(%arg8 : memref<128x128xf32, #tpu.memory_space<vmem>>) dst(%dma_wait3A_88 : memref<10008x128xf32, #tpu.memory_space<vmem_shared>>)
      tpu.yield
    }) : () -> ()
    %barrier3A_61 = arith.constant 0 : index
    tpu.barrier barrier_id(%barrier3A_61)
    %mul3A_62 = arith.constant 632 : i32
    %mul3A_63 = arith.muli %arg1, %mul3A_62 : i32
    %mul3A_64 = arith.constant 128 : i32
    %mul3A_65 = arith.muli %arg0, %mul3A_64 : i32
    %lt3A_66 = arith.constant 15 : i32
    %lt3A_67 = arith.cmpi slt, %arg1, %lt3A_66 : i32
    %convert_element_type3A_68 = arith.extui %lt3A_67 : i1 to i32
    %cond3A_69 = arith.constant 0 : i32
    %cond3A_70 = arith.cmpi ne, %convert_element_type3A_68, %cond3A_69 : i32
    scf.if %cond3A_70 {
      "tpu.region"() ({
        %run_scoped3A_76 = tpu.sem_alloc : memref<!tpu.dma_semaphore, #tpu.memory_space<semaphore_mem>>
        %dma_start3A_77 = tpu.memref_slice %arg4[%mul3A_63, %mul3A_65] : memref<10000x256xf32, #tpu.memory_space<hbm>> -> memref<632x128xf32, #tpu.memory_space<hbm>>
        %dma_start3A_78 = arith.constant 0 : i32
        %dma_start3A_79 = tpu.memref_slice %arg5[%mul3A_63, %dma_start3A_78] : memref<10008x128xf32, #tpu.memory_space<vmem_shared>> -> memref<632x128xf32, #tpu.memory_space<vmem_shared>>
        tpu.enqueue_dma source(%dma_start3A_79 : memref<632x128xf32, #tpu.memory_space<vmem_shared>>) target(%dma_start3A_77 : memref<632x128xf32, #tpu.memory_space<hbm>>) target_semaphore(%run_scoped3A_76 : memref<!tpu.dma_semaphore, #tpu.memory_space<semaphore_mem>>)
        %dma_wait3A_80 = tpu.memref_slice %arg4[%mul3A_63, %mul3A_65] : memref<10000x256xf32, #tpu.memory_space<hbm>> -> memref<632x128xf32, #tpu.memory_space<hbm>>
        %dma_wait3A_81 = arith.constant 0 : i32
        %dma_wait3A_82 = tpu.memref_slice %arg5[%mul3A_63, %dma_wait3A_81] : memref<10008x128xf32, #tpu.memory_space<vmem_shared>> -> memref<632x128xf32, #tpu.memory_space<vmem_shared>>
        tpu.wait_dma2 semaphore(%run_scoped3A_76 : memref<!tpu.dma_semaphore, #tpu.memory_space<semaphore_mem>>) src(%dma_wait3A_82 : memref<632x128xf32, #tpu.memory_space<vmem_shared>>) dst(%dma_wait3A_80 : memref<632x128xf32, #tpu.memory_space<hbm>>)
        tpu.yield
      }) : () -> ()
    } else {
    }
    %eq3A_71 = arith.constant 15 : i32
    %eq3A_72 = arith.cmpi eq, %arg1, %eq3A_71 : i32
    %convert_element_type3A_73 = arith.extui %eq3A_72 : i1 to i32
    %cond3A_74 = arith.constant 0 : i32
    %cond3A_75 = arith.cmpi ne, %convert_element_type3A_73, %cond3A_74 : i32
    scf.if %cond3A_75 {
      "tpu.region"() ({
        %run_scoped3A_76 = tpu.sem_alloc : memref<!tpu.dma_semaphore, #tpu.memory_space<semaphore_mem>>
        %dma_start3A_77 = tpu.memref_slice %arg4[%mul3A_63, %mul3A_65] : memref<10000x256xf32, #tpu.memory_space<hbm>> -> memref<520x128xf32, #tpu.memory_space<hbm>>
        %dma_start3A_78 = arith.constant 0 : i32
        %dma_start3A_79 = tpu.memref_slice %arg5[%mul3A_63, %dma_start3A_78] : memref<10008x128xf32, #tpu.memory_space<vmem_shared>> -> memref<520x128xf32, #tpu.memory_space<vmem_shared>>
        tpu.enqueue_dma source(%dma_start3A_79 : memref<520x128xf32, #tpu.memory_space<vmem_shared>>) target(%dma_start3A_77 : memref<520x128xf32, #tpu.memory_space<hbm>>) target_semaphore(%run_scoped3A_76 : memref<!tpu.dma_semaphore, #tpu.memory_space<semaphore_mem>>)
        %dma_wait3A_80 = tpu.memref_slice %arg4[%mul3A_63, %mul3A_65] : memref<10000x256xf32, #tpu.memory_space<hbm>> -> memref<520x128xf32, #tpu.memory_space<hbm>>
        %dma_wait3A_81 = arith.constant 0 : i32
        %dma_wait3A_82 = tpu.memref_slice %arg5[%mul3A_63, %dma_wait3A_81] : memref<10008x128xf32, #tpu.memory_space<vmem_shared>> -> memref<520x128xf32, #tpu.memory_space<vmem_shared>>
        tpu.wait_dma2 semaphore(%run_scoped3A_76 : memref<!tpu.dma_semaphore, #tpu.memory_space<semaphore_mem>>) src(%dma_wait3A_82 : memref<520x128xf32, #tpu.memory_space<vmem_shared>>) dst(%dma_wait3A_80 : memref<520x128xf32, #tpu.memory_space<hbm>>)
        tpu.yield
      }) : () -> ()
    } else {
    }
    return
  }
}

module attributes {stable_mosaic.version = 14 : i64} {
  func.func @_mlp_body(%arg0: i32, %arg1: memref<1000x256xf32, #tpu.memory_space<vmem>>, %arg2: memref<256x256xf32, #tpu.memory_space<vmem>>, %arg3: memref<1x256xf32, #tpu.memory_space<vmem>>, %arg4: memref<256x256xf32, #tpu.memory_space<vmem>>, %arg5: memref<1x256xf32, #tpu.memory_space<vmem>>, %arg6: memref<1x1x1000xf32, #tpu.memory_space<vmem>>, %arg7: memref<1x1x1000xf32, #tpu.memory_space<vmem>>, %arg8: memref<2x1000x128xf32, #tpu.memory_space<vmem>>) attributes {dimension_semantics = [#tpu.dimension_semantics<arbitrary>], iteration_bounds = array<i64: 10>, scalar_prefetch = 0 : i64, scratch_operands = 0 : i64, tpu.core_type = #tpu.core_type<tc>, window_params = [{transform_indices = @transform_0, window_bounds = array<i64: 1000, 256>}, {pipeline_mode = #tpu.pipeline_mode<synchronous>, transform_indices = @transform_1, window_bounds = array<i64: 256, 256>}, {pipeline_mode = #tpu.pipeline_mode<synchronous>, transform_indices = @transform_2, window_bounds = array<i64: 1, 256>}, {pipeline_mode = #tpu.pipeline_mode<synchronous>, transform_indices = @transform_3, window_bounds = array<i64: 256, 256>}, {pipeline_mode = #tpu.pipeline_mode<synchronous>, transform_indices = @transform_4, window_bounds = array<i64: 1, 256>}, {transform_indices = @transform_5, window_bounds = array<i64: 1, 1, 1000>}, {transform_indices = @transform_6, window_bounds = array<i64: 1, 1, 1000>}, {transform_indices = @transform_7, window_bounds = array<i64: 2, 1000, 128>}]} {
    %get3A = arith.constant 0 : index
    %get3A_0 = arith.constant 0 : index
    %get3A_1 = vector.load %arg1[%get3A, %get3A_0] : memref<1000x256xf32, #tpu.memory_space<vmem>>, vector<1000x256xf32>
    %get3A_2 = arith.constant 0 : index
    %get3A_3 = arith.constant 0 : index
    %get3A_4 = vector.load %arg2[%get3A_2, %get3A_3] : memref<256x256xf32, #tpu.memory_space<vmem>>, vector<256x256xf32>
    %dot_general3A = arith.constant dense<0.000000e+00> : vector<1000x256xf32>
    %dot_general3A_5 = tpu.matmul %get3A_1, %get3A_4, %dot_general3A {dimension_numbers = #tpu.dot_dimension_numbers<[1], [0], [0], [1], [0, 0, 1, 1], [], []>, transpose_lhs_hint = false} : vector<1000x256xf32>, vector<256x256xf32>, vector<1000x256xf32> -> vector<1000x256xf32>
    %get3A_6 = arith.constant 0 : index
    %get3A_7 = arith.constant 0 : index
    %get3A_8 = vector.load %arg3[%get3A_6, %get3A_7] : memref<1x256xf32, #tpu.memory_space<vmem>>, vector<1x256xf32>
    %add3A = vector.broadcast %get3A_8 : vector<1x256xf32> to vector<1000x256xf32>
    %add3A_9 = arith.addf %dot_general3A_5, %add3A : vector<1000x256xf32>
    %max3A = arith.constant 0.000000e+00 : f32
    %max3A_10 = vector.broadcast %max3A : f32 to vector<1000x256xf32>
    %max3A_11 = arith.maximumf %add3A_9, %max3A_10 : vector<1000x256xf32>
    %get3A_12 = arith.constant 0 : index
    %get3A_13 = arith.constant 0 : index
    %get3A_14 = vector.load %arg4[%get3A_12, %get3A_13] : memref<256x256xf32, #tpu.memory_space<vmem>>, vector<256x256xf32>
    %dot_general3A_15 = arith.constant dense<0.000000e+00> : vector<1000x256xf32>
    %dot_general3A_16 = tpu.matmul %max3A_11, %get3A_14, %dot_general3A_15 {dimension_numbers = #tpu.dot_dimension_numbers<[1], [0], [0], [1], [0, 0, 1, 1], [], []>, transpose_lhs_hint = false} : vector<1000x256xf32>, vector<256x256xf32>, vector<1000x256xf32> -> vector<1000x256xf32>
    %get3A_17 = arith.constant 0 : index
    %get3A_18 = arith.constant 0 : index
    %get3A_19 = vector.load %arg5[%get3A_17, %get3A_18] : memref<1x256xf32, #tpu.memory_space<vmem>>, vector<1x256xf32>
    %add3A_20 = vector.broadcast %get3A_19 : vector<1x256xf32> to vector<1000x256xf32>
    %add3A_21 = arith.addf %dot_general3A_16, %add3A_20 : vector<1000x256xf32>
    %max3A_22 = arith.constant 0.000000e+00 : f32
    %max3A_23 = vector.broadcast %max3A_22 : f32 to vector<1000x256xf32>
    %max3A_24 = arith.maximumf %add3A_21, %max3A_23 : vector<1000x256xf32>
    %get3A_25 = arith.constant 0 : index
    %get3A_26 = arith.constant 0 : index
    %get3A_27 = arith.constant 0 : index
    %get3A_28 = vector.load %arg6[%get3A_25, %get3A_26, %get3A_27] : memref<1x1x1000xf32, #tpu.memory_space<vmem>>, vector<1x1x1000xf32>
    %get3A_29 = vector.shape_cast %get3A_28 : vector<1x1x1000xf32> to vector<1000xf32>
    %get3A_30 = arith.constant 0 : index
    %get3A_31 = arith.constant 0 : index
    %get3A_32 = arith.constant 0 : index
    %get3A_33 = vector.load %arg7[%get3A_30, %get3A_31, %get3A_32] : memref<1x1x1000xf32, #tpu.memory_space<vmem>>, vector<1x1x1000xf32>
    %get3A_34 = vector.shape_cast %get3A_33 : vector<1x1x1000xf32> to vector<1000xf32>
    %add3A_35 = arith.addf %get3A_29, %get3A_34 : vector<1000xf32>
    %add3A_36 = arith.constant 1.000000e+00 : f32
    %add3A_37 = vector.broadcast %add3A_36 : f32 to vector<1000xf32>
    %add3A_38 = arith.addf %add3A_35, %add3A_37 : vector<1000xf32>
    %div3A = arith.constant 1.000000e+00 : f32
    %div3A_39 = vector.broadcast %div3A : f32 to vector<1000xf32>
    %div3A_40 = arith.divf %div3A_39, %add3A_38 : vector<1000xf32>
    %broadcast_in_dim3A = vector.shape_cast %div3A_40 : vector<1000xf32> to vector<1000x1xf32>
    %mul3A = vector.broadcast %broadcast_in_dim3A : vector<1000x1xf32> to vector<1000x256xf32>
    %mul3A_41 = arith.mulf %max3A_24, %mul3A : vector<1000x256xf32>
    %slice3A = vector.extract_strided_slice %mul3A_41 {offsets = [0, 0], sizes = [1000, 128], strides = [1, 1]} : vector<1000x256xf32> to vector<1000x128xf32>
    %swap3A = arith.constant 0 : index
    %swap3A_42 = arith.constant 0 : index
    %swap3A_43 = arith.constant 0 : index
    %swap3A_44 = vector.load %arg8[%swap3A, %swap3A_42, %swap3A_43] : memref<2x1000x128xf32, #tpu.memory_space<vmem>>, vector<1x1000x128xf32>
    %swap3A_45 = vector.shape_cast %swap3A_44 : vector<1x1000x128xf32> to vector<1000x128xf32>
    %swap3A_46 = vector.shape_cast %slice3A : vector<1000x128xf32> to vector<1x1000x128xf32>
    tpu.vector_store %arg8[%swap3A, %swap3A_42, %swap3A_43], %swap3A_46 {strides = array<i32>} : memref<2x1000x128xf32, #tpu.memory_space<vmem>>, vector<1x1000x128xf32>,
    %slice3A_47 = vector.extract_strided_slice %mul3A_41 {offsets = [0, 128], sizes = [1000, 128], strides = [1, 1]} : vector<1000x256xf32> to vector<1000x128xf32>
    %swap3A_48 = arith.constant 1 : index
    %swap3A_49 = arith.constant 0 : index
    %swap3A_50 = arith.constant 0 : index
    %swap3A_51 = vector.load %arg8[%swap3A_48, %swap3A_49, %swap3A_50] : memref<2x1000x128xf32, #tpu.memory_space<vmem>>, vector<1x1000x128xf32>
    %swap3A_52 = vector.shape_cast %swap3A_51 : vector<1x1000x128xf32> to vector<1000x128xf32>
    %swap3A_53 = vector.shape_cast %slice3A_47 : vector<1000x128xf32> to vector<1x1000x128xf32>
    tpu.vector_store %arg8[%swap3A_48, %swap3A_49, %swap3A_50], %swap3A_53 {strides = array<i32>} : memref<2x1000x128xf32, #tpu.memory_space<vmem>>, vector<1x1000x128xf32>,
    return
  }
  func.func @transform_0(%arg0: i32) -> (i32, i32) {
    %c0_i32 = arith.constant 0 : i32
    %c0_i32_0 = arith.constant 0 : i32
    return %arg0, %c0_i32 : i32, i32
  }
  func.func @transform_1(%arg0: i32) -> (i32, i32) {
    %c0_i32 = arith.constant 0 : i32
    %c0_i32_0 = arith.constant 0 : i32
    %c0_i32_1 = arith.constant 0 : i32
    return %c0_i32, %c0_i32_0 : i32, i32
  }
  func.func @transform_2(%arg0: i32) -> (i32, i32) {
    %c0_i32 = arith.constant 0 : i32
    %c0_i32_0 = arith.constant 0 : i32
    %c0_i32_1 = arith.constant 0 : i32
    return %c0_i32, %c0_i32_0 : i32, i32
  }
  func.func @transform_3(%arg0: i32) -> (i32, i32) {
    %c0_i32 = arith.constant 0 : i32
    %c0_i32_0 = arith.constant 0 : i32
    %c0_i32_1 = arith.constant 0 : i32
    return %c0_i32, %c0_i32_0 : i32, i32
  }
  func.func @transform_4(%arg0: i32) -> (i32, i32) {
    %c0_i32 = arith.constant 0 : i32
    %c0_i32_0 = arith.constant 0 : i32
    %c0_i32_1 = arith.constant 0 : i32
    return %c0_i32, %c0_i32_0 : i32, i32
  }
  func.func @transform_5(%arg0: i32) -> (i32, i32, i32) {
    %c0_i32 = arith.constant 0 : i32
    %c0_i32_0 = arith.constant 0 : i32
    %c0_i32_1 = arith.constant 0 : i32
    return %arg0, %c0_i32, %c0_i32_0 : i32, i32, i32
  }
  func.func @transform_6(%arg0: i32) -> (i32, i32, i32) {
    %add3A = arith.constant 10 : i32
    %add3A_0 = arith.addi %arg0, %add3A : i32
    %c0_i32 = arith.constant 0 : i32
    %c0_i32_1 = arith.constant 0 : i32
    %c0_i32_2 = arith.constant 0 : i32
    return %add3A_0, %c0_i32, %c0_i32_1 : i32, i32, i32
  }
  func.func @transform_7(%arg0: i32) -> (i32, i32, i32) {
    %c0_i32 = arith.constant 0 : i32
    %c0_i32_0 = arith.constant 0 : i32
    %c0_i32_1 = arith.constant 0 : i32
    return %c0_i32, %arg0, %c0_i32_0 : i32, i32, i32
  }
}

</mosaic_0001>

<sc_bundles>
// kernel: kernel.5.cloned.1.call-start
scs
__scs_entry_jumppad:
0x0: {  	(pc) =	sbr.rel $0x88, $3  }
0x1: {  	(tag) =	ssettag $0x0;
	lr =	simm.s32 $0x1  }
0x2: {  	[smem:$0x3F9A] =	sst lr;
	_ =	strace $0xD0000000  }
0x3: {  	_ = 	snop  }
0x4: {  	_ = 	snop  }
0x5: {  	_ = 	snop  }
0x6: {  	_ = 	snop  }
0x7: {  	_ = 	snop  }
__scs_overlays_trampoline_lowered:
0x8: {  	[smem:$0x3FA9] =	sst s0  }
0x9: {  	[smem:$0x3FAA] =	sst s1  }
0xa: {  	[smem:$0x3FAB] =	sst s2  }
0xb: {  	[smem:$0x3FAC] =	sst s3  }
0xc: {  	[smem:$0x3FAD] =	sst s4  }
0xd: {  	[smem:$0x3FAE] =	sst s5  }
0xe: {  	[smem:$0x3FAF] =	sst s6  }
0xf: {  	[smem:$0x3FB0] =	sst s7  }
0x10: {  	[smem:$0x3FB1] =	sst s8  }
0x11: {  	[smem:$0x3FB2] =	sst s9;
	s0 =	simm.s32 @!p0 $0x0  }
0x12: {  	s1 =	sld [smem:$0x3F98];
	s0 =	simm.s32 @p0 $0x1  }
0x13: {  	[smem:$0x3FB3] =	sst s0;
	s0 =	simm.s32 @!p1 $0x0  }
0x14: {  	s2 =	sld [smem:$0x3F97];
	s0 =	simm.s32 @p1 $0x1  }
0x15: {  	[smem:$0x3FB4] =	sst s0;
	s0 =	simm.s32 @!p2 $0x0  }
0x16: {  	s3 =	sld [smem:$0x3FDB];
	s0 =	simm.s32 @p2 $0x1  }
0x17: {  	s4 =	simm.s32 $0x1BF5;
	[smem:$0x3FB6] =	sst s0  }
0x18: {  	s0 =	sld [smem:$0x3F99];
	_ =	swait.ge [sflag:s4], $0x0  }
0x19: {  	s7 =	sld [smem:$0x3F9A]  }
0x1a: {  	s8 =	sadd.s32 $0xFFFFE003, lr  }
0x1b: {  	s9 =	sadd.s32 $0xFFFFFEF7, lr;
	s5 =	simm.s32 $0xFFFFFFFF;
	p2 =	slt.u32 s8, $0xFFFFF086  }
0x1c: {  	p1 =	slt.u32 s9, $0xF7A;
	s5 =	simm.s32 @!p2 $0x0  }
0x1d: {  	s5 =	simm.s32 @p1 $0x1;
	p0 =	seq.s32 s7, s2  }
0x1e: {  	s7 =	smul.u32 @!p0 $0xF7A, s2;
	p2 =	seq.s32 @!p0 s5, $0x0  }
0x1f: {  	s9 =	smul.u32 $0xF7A, s1;
	s8 =	simm.s32 @!p0 $0x1BF5;
	p2 =	por !p2, p0  }
0x20: {  	[sflag:s8] =	ssyncset.s32 @!p0 $0xFFFFF086;
	s6 =	sadd.s32 @!p0 s3, s7;
	s7 =	simm.s32 @!p0 $0x108  }
0x21: {  	s3 =	sadd.s32 s3, s9;
	s6 =	sadd.s32 @!p0 $0x88, s6;
	s7 =	simm.s32 @p2 $0x1082  }
0x22: {  	[simem:s7], [sflag:s8] =	dma.local @!p0 [hbm:s6], $0xF7A  }
0x23: {  	s9 =	sor.u32 $0xD0000000, s2;
	s6 =	simm.s32 $0x108;
	_ =	swait.ge @!p0 [sflag:s8], $0x0  }
0x24: {  	s3 =	sadd.s32 $0x88, s3;
	s6 =	simm.s32 @!p1 $0x1082;
	[sflag:s4] =	ssyncset.s32 $0xFFFFF086  }
0x25: {  	[simem:s6], [sflag:s4] =	dma.local [hbm:s3], $0xF7A  }
0x26: {  	[smem:$0x3F9A] =	sst s1;
	(tag) =	ssettag s2;
	_ =	strace s9  }
0x27: {  	s1 =	sld [smem:$0x3FAA]  }
0x28: {  	s2 =	sld [smem:$0x3FAB]  }
0x29: {  	s4 =	sld [smem:$0x3FAD]  }
0x2a: {  	p0 =	seq.s32 s5, $0x0;
	s5 =	sld [smem:$0x3FAE]  }
0x2b: {  	s6 =	sld [smem:$0x3FAF]  }
0x2c: {  	s7 =	sld [smem:$0x3FB0]  }
0x2d: {  	s3 =	simm.s32 $0x108;
	s8 =	sld [smem:$0x3FB1]  }
0x2e: {  	s3 =	simm.s32 @!p0 $0x1082;
	s9 =	sld [smem:$0x3FB2]  }
0x2f: {  	lr =	sadd.s32 s0, s3;
	s0 =	sld [smem:$0x3FA9]  }
0x30: {  	s3 =	sld [smem:$0x3FAC]  }
0x31: {  	[smem:$0x3FB5] =	sst s10  }
0x32: {  	s10 =	sld [smem:$0x3FB3];
	_ =	sdelay $0x3  }
0x33: {  	p0 =	seq.s32 s10, $0x1;
	s10 =	sld [smem:$0x3FB5];
	_ =	sdelay $0x3  }
0x34: {  	[smem:$0x3FB5] =	sst s10  }
0x35: {  	s10 =	sld [smem:$0x3FB4];
	_ =	sdelay $0x3  }
0x36: {  	p1 =	seq.s32 s10, $0x1;
	s10 =	sld [smem:$0x3FB5];
	_ =	sdelay $0x3  }
0x37: {  	[smem:$0x3FB5] =	sst s10  }
0x38: {  	s10 =	sld [smem:$0x3FB6]  }
0x39: {  	_ = 	snop;
	(pc) =	sbr.ind lr, $3  }
0x3a: {  	_ = 	snop  }
0x3b: {  	_ = 	snop  }
0x3c: {  	p2 =	seq.s32 s10, $0x1;
	s10 =	sld [smem:$0x3FB5]  }
0x3d: {  	_ =	shalt  }
0x3e: {  	_ =	shalt  }
0x3f: {  	_ =	shalt  }
0x40: {  	_ =	shalt  }
0x41: {  	_ =	shalt  }
0x42: {  	_ =	shalt  }
0x43: {  	_ =	shalt  }
0x44: {  	_ =	shalt  }
0x45: {  	_ =	shalt  }
0x46: {  	_ =	shalt  }
0x47: {  	_ =	shalt  }
0x48: {  	_ =	shalt  }
0x49: {  	_ =	shalt  }
0x4a: {  	_ =	shalt  }
0x4b: {  	_ =	shalt  }
0x4c: {  	_ =	shalt  }
0x4d: {  	_ =	shalt  }
0x4e: {  	_ =	shalt  }
0x4f: {  	_ =	shalt  }
0x50: {  	_ =	shalt  }
0x51: {  	_ =	shalt  }
0x52: {  	_ =	shalt  }
0x53: {  	_ =	shalt  }
0x54: {  	_ =	shalt  }
0x55: {  	_ =	shalt  }
0x56: {  	_ =	shalt  }
0x57: {  	_ =	shalt  }
0x58: {  	_ =	shalt  }
0x59: {  	_ =	shalt  }
0x5a: {  	_ =	shalt  }
0x5b: {  	_ =	shalt  }
0x5c: {  	_ =	shalt  }
0x5d: {  	_ =	shalt  }
0x5e: {  	_ =	shalt  }
0x5f: {  	_ =	shalt  }
0x60: {  	_ =	shalt  }
0x61: {  	_ =	shalt  }
0x62: {  	_ =	shalt  }
0x63: {  	_ =	shalt  }
0x64: {  	_ =	shalt  }
0x65: {  	_ =	shalt  }
0x66: {  	_ =	shalt  }
0x67: {  	_ =	shalt  }
0x68: {  	_ =	shalt  }
0x69: {  	_ =	shalt  }
0x6a: {  	_ =	shalt  }
0x6b: {  	_ =	shalt  }
0x6c: {  	_ =	shalt  }
0x6d: {  	_ =	shalt  }
0x6e: {  	_ =	shalt  }
0x6f: {  	_ =	shalt  }
0x70: {  	_ =	shalt  }
0x71: {  	_ =	shalt  }
0x72: {  	_ =	shalt  }
0x73: {  	_ =	shalt  }
0x74: {  	_ =	shalt  }
0x75: {  	_ =	shalt  }
0x76: {  	_ =	shalt  }
0x77: {  	_ =	shalt  }
0x78: {  	_ =	shalt  }
0x79: {  	_ =	shalt  }
0x7a: {  	_ =	shalt  }
0x7b: {  	_ =	shalt  }
0x7c: {  	_ =	shalt  }
0x7d: {  	_ =	shalt  }
0x7e: {  	_ =	shalt  }
0x7f: {  	_ =	shalt  }
0x80: {  	_ =	shalt  }
0x81: {  	_ =	shalt  }
0x82: {  	_ =	shalt  }
0x83: {  	_ =	shalt  }
0x84: {  	_ =	shalt  }
0x85: {  	_ =	shalt  }
0x86: {  	_ =	shalt  }
0x87: {  	_ =	shalt  }
.Lfunc_end0:
.L_simem_size_0:
called_computation_lowered:
.L_overlay_start_0:
0x88: {  	s2 =	sld [smem:$0x3FD9]  }
0x89: {  	s3 =	sld [smem:$0x3FFE];
	_ =	sdelay $0x1  }
0x8a: {  	s1 =	srdreg.scid  }
0x8b: {  	s0 =	sand.u32 $0x1, s1  }
0x8c: {  	s17 =	sshll.u32 s0, $0xA;
	s2 =	sadd.s32 s3, s2  }
0x8d: {  	s2 =	sadd.s32 s2, s17  }
0x8e: {  	[smem:$0x3FC1] =	sst s2  }
0x8f: {  	_ = 	snop  }
0x90: {  	s2 =	sld [smem:$0x3FC8]  }
0x91: {  	s18 =	sld [smem:$0x3FD0];
	(tm) =	ssettm $0x1  }
0x92: {  	s4 =	sld [smem:$0x3FFB];
	_ =	sdelay $0x3  }
0x93: {  	_ =	strace s4  }
0x94: {  	s4 =	sld [smem:$0x3FFC];
	_ =	sdelay $0x3  }
0x95: {  	_ =	strace s4  }
0x96: {  	s4 =	sld [smem:$0x3FFD];
	_ =	sdelay $0x3  }
0x97: {  	_ =	strace s4  }
0x98: {  	_ =	strace $0x8FFFFFFF  }
0x99: {  	s19 =	sld [smem:$0x3FDB];
	_ =	sdelay $0x1  }
0x9a: {  	s5 =	simm.s32 $_scs_section_size  }
0x9b: {  	s6 =	simm.s32 $_size__tile_overlayer_lowered;
	s7 =	simm.s32 $_tile_overlayer_lowered  }
0x9c: {  	s22 =	simm.s32 $0x1BFF;
	s21 =	sshll.u32 s7, $0x1;
	s4 =	sadd.s32 s5, s19  }
0x9d: {  	s8 =	simm.s32 $0x0;
	s20 =	sshll.u32 s6, $0x1;
	s6 =	sadd.s32 s21, s4  }
0x9e: {  	[timem:s8], [sflag:s22] =	dma.local [hbm:s6], s20  }
0x9f: {  	_ =	swait.ge [sflag:s22], s20  }
0xa0: {  	s5 =	ssub.s32 $0x0, s20;
	[sflag:s22] =	ssyncset.done $0x0  }
0xa1: {  	[sflag:s22] =	ssyncadd.s32 s5;
	_ =	sdelay $0x1  }
0xa2: {  	s23 =	simm.s32 $0x1B8B  }
0xa3: {  	_ =	swait.ge [sflag:s23], $0x1  }
0xa4: {  	[sflag:s23] =	ssyncset.done $0x0  }
0xa5: {  	s25 =	simm.s32 $0x1B8E;
	s24 =	sld [smem:$0x3FFE];
	[sflag:s23] =	ssyncadd.s32 $0xFFFFFFFF  }
0xa6: {  	s26 =	simm.s32 $execute0_lowered;
	[smem:$0x3FD2] =	sst s25  }
0xa7: {  	s6 =	sshll.u32 s26, $0x1;
	_ =	strace $0x80000046;
	[dreg:$0x1] =	wrdreg $0xFFFFFFFF  }
0xa8: {  	s28 =	simm.s32 $_size_execute0_lowered;
	s4 =	sadd.s32 s4, s6;
	[dreg:$0x0] =	wrdreg $0x0  }
0xa9: {  	s6 =	sshll.u32 s28, $0x1;
	[dreg:$0x2] =	wrdreg s4  }
0xaa: {  	[dreg:$0x3] =	wrdreg s6  }
0xab: {  	[dreg:$0x4] =	wrdreg $0xC0  }
0xac: {  	_ =	task [dreg:s8], $0x5FFFF  }
0xad: {  	[dreg:$0x1] =	wrdreg $0xFFFFFFFF  }
0xae: {  	[dreg:$0x0] =	wrdreg $0x60  }
0xaf: {  	[dreg:$0x2] =	wrdreg s2  }
0xb0: {  	[dreg:$0x3] =	wrdreg s18  }
0xb1: {  	[dreg:$0x4] =	wrdreg s24  }
0xb2: {  	[dreg:$0x5] =	wrdreg $0x0  }
0xb3: {  	[dreg:$0x6] =	wrdreg $0x9  }
0xb4: {  	_ =	task.clear_ibuf [dreg:s8], $0x7FFFF;
	_ =	strace $0x90000046  }
0xb5: {  	s29 =	simm.s32 $0x9;
	_ =	strace $0x80000048  }
0xb6: {  	_ =	swait.ge [sflag:s29], $0x1  }
0xb7: {  	[sflag:s29] =	ssyncadd.s32 $0xFFFFFFFF  }
0xb8: {  	_ =	strace $0x90000048  }
0xb9: {  	_ =	sfence  }
0xba: {  	s30 =	sld [smem:$0x0];
	_ =	sdelay $0x2  }
0xbb: {  	s31 =	sshll.u32 s1, $0xD;
	s1 =	sshrl.u32 s1, $0x2  }
0xbc: {  	s3 =	sand.u32 $0x4000, s31;
	s1 =	sadd.s32 s1, s30  }
0xbd: {  	s0 =	sor.u32 s3, s0;
	s1 =	sshll.u32 s1, $0x11  }
0xbe: {  	s0 =	sor.u32 s1, s0  }
0xbf: {  	s0 =	sadd.s32 $0x8F2B, s0  }
0xc0: {  	[sflag:s0] =	ssyncadd.remote.s32 $0x1  }
0xc1: {  	_ =	sfence.sel $0xFFFF  }
0xc2: {  	[dreg:$0x0] =	wrdreg $0xFFFFFFFF;
	(pc) =	sbr.abs _section_cstart, $3  }
0xc3: {  	[dreg:$0x1] =	wrdreg $0xFFFFFFFF  }
0xc4: {  	_ =	task.clear_ibuf [dreg:s8], $0x2FFFF;
	_ =	strace $0x9FFFFFFF  }
0xc5: {  	(tm) =	ssettm $0x7FFFFFFF  }
tec
execute0_lowered:
.L_overlay_start_1:
0x0: {  	(tag) =	ssettag $0x1  }
0x1: {  	s8 =	rddreg [dreg:$0x0]  }
0x2: {  	s1 =	rddreg [dreg:$0x1]  }
0x3: {  	s5 =	rddreg [dreg:$0x2]  }
0x4: {  	s2 =	rddreg [dreg:$0x3]  }
0x5: {  	s0 =	rddreg [dreg:$0x4];
	s4 =	simm.s32 $0x0;
	s6 =	srdreg.scid  }
0x6: {  	s3 =	stileid.u32;
	s17 =	simm.s32 $0x2710;
	s18 =	simm.s32 $0x1  }
0x7: {  	s19 =	simm.s32 $0x3E8;
	s20 =	simm.s32 $0x2AF8;
	s21 =	simm.s32 $0x2EE0  }
0x8: {  	s22 =	simm.s32 $0x32C8;
	s23 =	simm.s32 $0x36B0;
	s24 =	simm.s32 $0x7918  }
0x9: {  	s25 =	simm.s32 $0x0;
	[smem:$0x7FF] =	sst s4;
	s9 =	smul.u32 $0x9E00, s3  }
0xa: {  	s6 =	sand.u32 $0x1, s6;
	s10 =	sadd.s32 $0x1A00, s5;
	s11 =	smul.u32 $0x278, s3  }
0xb: {  	p0 =	seq.s32 s3, $0xF;
	_ =	strace $0x80000047;
	s7 =	ssub.s32 $0x2, s6  }
0xc: {  	s12 =	sshll.u32 s6, $0x4;
	s13 =	smul.u32 $0x2710, s6;
	s6 =	sadd.s32 $0x7D0, s1  }
0xd: {  	s15 =	sshll.u32 @!p0 s3, $0x6;
	s26 =	sshrl.u32 s7, $0x1;
	s9 =	sshrl.u32 s9, $0x2  }
0xe: {  	s28 =	sor.u32 s3, s12;
	s12 =	simm.s32 $0x3A98;
	s15 =	sor.u32 @!p0 $0x1C02, s15  }
0xf: {  	s14 =	ssub.s32 s7, s26;
	s5 =	sadd.s32 s9, s2;
	s29 =	smul.u32 $0x271, s28  }
0x10: {  	s11 =	sadd.s32 s11, s13;
	s7 =	sadd.s32 $0x25080, s2;
	s30 =	sadd.s32 $0x2508, s13  }
0x11: {  	s13 =	simm.s32 $0x2;
	s11 =	sshrl.u32 s11, $0x3;
	s31 =	sshrl.u32 s30, $0x3  }
0x12: {  	v0 =	vlaneseq.u32;
	s16 =	sshrl.u32 @!p0 s5, $0x3;
	s8 =	sadd.s32 s8, s29;
	s9 =	sadd.s32 s10, s11  }
0x13: {  	v0 =	vmul.u32 $0x10, v0;
	s10 =	sadd.s32 s10, s31;
	s11 =	smax.u32 s14, $0x1;
	s14 =	sshrl.u32 @p0 s7, $0x3  }
.LBB2_1:
0x14: {  	[tilespmem:s12], [sflag:$0x2] =	stream.linear.gather [hbm4b:s1+s4], $0x3E80, $0x38;
	[tilespmem:$0xA398] =	vst v63  }
0x15: {  	_ =	swait.ge [sflag:s13], $0x3E80  }
0x16: {  	[sflag:s13] =	ssyncset.done $0x0  }
0x17: {  	s26 =	simm.s32 @p0 $0x1FC2;
	[sflag:s13] =	ssyncadd.s32 $0xFFFFC180  }
0x18: {  	[spmem:s14], [sflag:s26] =	dma.local @p0 [hbm:s6], $0x410  }
0x19: {  	s26 =	simm.s32 @p0 $0x2  }
0x1a: {  	_ =	swait.ge @p0 [sflag:s26], $0x410  }
0x1b: {  	[sflag:s26] =	ssyncset.done @p0 $0x0  }
0x1c: {  	s28 =	simm.s32 @!p0 $0x2;
	[sflag:s26] =	ssyncadd.s32 @p0 $0xFFFFFBF0  }
0x1d: {  	[spmem:s16], [sflag:s15] =	dma.local @!p0 [hbm:s6], $0x4F0  }
0x1e: {  	_ =	swait.ge @!p0 [sflag:s28], $0x4F0  }
0x1f: {  	[sflag:s28] =	ssyncset.done @!p0 $0x0  }
0x20: {  	[sflag:s28] =	ssyncadd.s32 @!p0 $0xFFFFFB10  }
0x21: {  	[tilespmem:s17], [sflag:$0x1] =	stream.linear.gather [hbm4b:s8+s4], $0x1388, $0x38;
	[tilespmem:$0xA398] =	vst v63  }
0x22: {  	[bflag:$0x0] =	sbarrier.arrive $0xFFFF  }
0x23: {  	_ =	swait.ge [sflag:s18], $0x1388  }
0x24: {  	[sflag:s18] =	ssyncset.done $0x0  }
0x25: {  	[sflag:s18] =	ssyncadd.s32 $0xFFFFEC78  }
0x26: {  	[spmem:s2] =	stream.indirect.scatter.add.f32 [tilespmem:s12], [sflag:$0x1], $0x10, s17, s19, $0xb8;
	[tilespmem:$0xA398] =	vst v63  }
0x27: {  	_ = 	snop  }
0x28: {  	[spmem:s2] =	stream.indirect.scatter.add.f32 [tilespmem:s12], [sflag:$0x1], $0x10, s20, s19, $0xb8;
	[tilespmem:$0xA398] =	vst v63  }
0x29: {  	_ = 	snop  }
0x2a: {  	[spmem:s2] =	stream.indirect.scatter.add.f32 [tilespmem:s12], [sflag:$0x1], $0x10, s21, s19, $0xb8;
	[tilespmem:$0xA398] =	vst v63  }
0x2b: {  	_ = 	snop  }
0x2c: {  	[spmem:s2] =	stream.indirect.scatter.add.f32 [tilespmem:s12], [sflag:$0x1], $0x10, s22, s19, $0xb8;
	[tilespmem:$0xA398] =	vst v63  }
0x2d: {  	_ = 	snop  }
0x2e: {  	[spmem:s2] =	stream.indirect.scatter.add.f32 [tilespmem:s12], [sflag:$0x1], $0x10, s23, s19, $0xb8;
	[tilespmem:$0xA398] =	vst v63  }
0x2f: {  	_ =	swait.ge [sflag:s18], $0x3E80  }
0x30: {  	[sflag:s18] =	ssyncset.done $0x0  }
0x31: {  	[sflag:s18] =	ssyncadd.s32 $0xFFFFC180  }
0x32: {  	_ =	swait.ge [sflag:s18], $0x3E80  }
0x33: {  	[sflag:s18] =	ssyncset.done $0x0  }
0x34: {  	[sflag:s18] =	ssyncadd.s32 $0xFFFFC180  }
0x35: {  	_ =	swait.ge [sflag:s18], $0x3E80  }
0x36: {  	[sflag:s18] =	ssyncset.done $0x0  }
0x37: {  	[sflag:s18] =	ssyncadd.s32 $0xFFFFC180  }
0x38: {  	_ =	swait.ge [sflag:s18], $0x3E80  }
0x39: {  	[sflag:s18] =	ssyncset.done $0x0  }
0x3a: {  	[sflag:s18] =	ssyncadd.s32 $0xFFFFC180  }
0x3b: {  	_ =	swait.ge [sflag:s18], $0x3E80  }
0x3c: {  	[sflag:s18] =	ssyncset.done $0x0  }
0x3d: {  	[sflag:s18] =	ssyncadd.s32 $0xFFFFC180  }
0x3e: {  	s29 =	simm.s32 @p0 $0x7918;
	[bflag:$0x0] =	sbarrier.arrive $0xFFFF  }
0x3f: {  	[tilespmem:s29], [sflag:$0x2] =	stream.linear.gather @p0 [spmem:s7], $0x2080, $0x38;
	[tilespmem:$0xA398] =	vst v63  }
0x40: {  	v1 =	vmov s4;
	_ =	swait.ge @p0 [sflag:s26], $0x2080  }
0x41: {  	v1 =	vshll.u32 v1, $0x4;
	[sflag:s26] =	ssyncset.done @p0 $0x0  }
0x42: {  	v1 =	vor.u32 v0, v1;
	[sflag:s26] =	ssyncadd.s32 @p0 $0xFFFFDF80;
	s26 =	simm.s32 @!p0 $0x7918  }
0x43: {  	[tilespmem:s26], [sflag:$0x2] =	stream.linear.gather @!p0 [spmem:s5], $0x2780, $0x38;
	[tilespmem:$0xA398] =	vst v63  }
0x44: {  	_ =	swait.ge @!p0 [sflag:s28], $0x2780  }
0x45: {  	s31 =	simm.s32 $0x10;
	[sflag:s28] =	ssyncset.done @!p0 $0x0  }
0x46: {  	v2 =	vmov s31;
	[sflag:s28] =	ssyncadd.s32 @!p0 $0xFFFFD880  }
0x47: {  	v2 =	vshll.u32 v2, $0x4;
	v1 =	vld.idx.msk [tilespmem:v1+s24+$0x0], $0xffff  }
0x48: {  	v3 =	vor.u32 v0, v2;
	_ =	sdelay $0x2  }
0x49: {  	s26 =	simm.s32 $0xA118  }
0x4a: {  	s28 =	simm.s32 $0x20;
	[tilespmem:s26+$0x0] =	vst v1  }
0x4b: {  	v2 =	vmov s28;
	s28 =	simm.s32 $0x30;
	v1 =	vld.idx.msk [tilespmem:v3+s24+$0x0], $0xffff  }
.LBB2_2:
0x4c: {  	p1 =	sne.s32 s28, $0x270;
	v2 =	vshll.u32 v2, $0x4  }
0x4d: {  	v3 =	vor.u32 v0, v2  }
.Ltmp0:
0x4e: {  	(pc) =	sbr.rel @p1 .LBB2_2-.Ltmp0, $4  }
0x4f: {  	_ = 	snop  }
0x50: {  	s26 =	sadd.s32 $0x10, s26  }
0x51: {  	[tilespmem:s26+$0x0] =	vst v1  }
0x52: {  	v2 =	vmov s28;
	s28 =	sadd.s32 $0x10, s28;
	v1 =	vld.idx.msk [tilespmem:v3+s24+$0x0], $0xffff  }
0x53: {  	v2 =	vshll.u32 v2, $0x4  }
0x54: {  	v2 =	vor.u32 v0, v2;
	_ =	sdelay $0x2  }
0x55: {  	s26 =	sadd.s32 $0x10, s26  }
0x56: {  	[tilespmem:s26+$0x0] =	vst v1  }
0x57: {  	v1 =	vld.idx.msk [tilespmem:v2+s24+$0x0], $0xffff;
	_ =	sdelay $0x3  }
0x58: {  	s26 =	sadd.s32 $0x10, s26  }
0x59: {  	s28 =	simm.s32 @p0 $0xA118;
	[tilespmem:s26+$0x0] =	vst v1;
	s26 =	simm.s32 @p0 $0x0  }
0x5a: {  	[hbm4b:s10+s26] =	stream.linear.scatter @p0 [tilespmem:s28], [sflag:$0x2], $0x208, $0x38;
	[tilespmem:$0xA398] =	vst v63  }
0x5b: {  	s26 =	simm.s32 @p0 $0x2  }
0x5c: {  	s25 =	sadd.s32 $0x1, s25;
	_ =	swait.ge @p0 [sflag:s26], $0x208  }
0x5d: {  	p1 =	sne.s32 s25, s11;
	[sflag:s26] =	ssyncset.done @p0 $0x0  }
0x5e: {  	s28 =	simm.s32 @!p0 $0xA118;
	[sflag:s26] =	ssyncadd.s32 @p0 $0xFFFFFDF8;
	s26 =	simm.s32 @!p0 $0x0  }
0x5f: {  	[hbm4b:s9+s26] =	stream.linear.scatter @!p0 [tilespmem:s28], [sflag:$0x2], $0x278, $0x38;
	[tilespmem:$0xA398] =	vst v63  }
.Ltmp1:
0x60: {  	_ = 	snop;
	(pc) =	sbr.rel @p1 .LBB2_1-.Ltmp1, $4  }
0x61: {  	s26 =	simm.s32 @!p0 $0x2  }
0x62: {  	_ =	swait.ge @!p0 [sflag:s26], $0x278  }
0x63: {  	[sflag:s26] =	ssyncset.done @!p0 $0x0  }
0x64: {  	[sflag:s26] =	ssyncadd.s32 @!p0 $0xFFFFFD88  }
0x65: {  	_ =	sfence.sel $0x180000  }
0x66: {  	[bflag:$0x0] =	sbarrier.arrive $0xFFFF  }
0x67: {  	p0 =	sne.s32 s3, $0x0;
	_ =	strace $0x90000047  }
0x68: {  	s0 =	sadd.s32 @!p0 $0x100000, s0;
	[bflag:$0x2] =	sbarrier.arrive $0xFFFF  }
0x69: {  	[sflag:s0] =	ssyncadd.tile.s32 @!p0 $0x1;
	_ =	shalt  }
.Lfunc_end2:
_tile_overlayer_lowered:
.L_overlay_start_2:
0x6a: {  	(tag) =	ssettag $0x2  }
0x6b: {  	s0 =	rddreg [dreg:$0x0];
	s2 =	stileid.u32  }
0x6c: {  	s1 =	rddreg [dreg:$0x1];
	p0 =	sne.s32 s2, $0x0  }
0x6d: {  	s3 =	rddreg [dreg:$0x2];
	[bflag:$0x3] =	sbarrier.arrive $0xFFFF;
	s2 =	simm.s32 @!p0 $0x1C02  }
0x6e: {  	[timem:s3], [sflag:s2] =	dma.local @!p0 [hbm:s0], s1  }
0x6f: {  	s0 =	simm.s32 @!p0 $0x2  }
0x70: {  	_ =	swait.ge @!p0 [sflag:s0], s1  }
0x71: {  	s1 =	ssub.s32 @!p0 $0x0, s1;
	[sflag:s0] =	ssyncset.done @!p0 $0x0  }
0x72: {  	[sflag:s0] =	ssyncadd.s32 @!p0 s1  }
0x73: {  	[bflag:$0x3] =	sbarrier.arrive $0xFFFF  }
0x74: {  	_ =	shalt  }

// kernel: kernel.8.cloned.1.call-start
scs
__scs_entry_jumppad:
0x0: {  	(pc) =	sbr.rel $0x88, $3  }
0x1: {  	(tag) =	ssettag $0x0;
	lr =	simm.s32 $0x1  }
0x2: {  	[smem:$0x3F9A] =	sst lr;
	_ =	strace $0xD0000000  }
0x3: {  	_ = 	snop  }
0x4: {  	_ = 	snop  }
0x5: {  	_ = 	snop  }
0x6: {  	_ = 	snop  }
0x7: {  	_ = 	snop  }
__scs_overlays_trampoline_lowered:
0x8: {  	[smem:$0x3FA9] =	sst s0  }
0x9: {  	[smem:$0x3FAA] =	sst s1  }
0xa: {  	[smem:$0x3FAB] =	sst s2  }
0xb: {  	[smem:$0x3FAC] =	sst s3  }
0xc: {  	[smem:$0x3FAD] =	sst s4  }
0xd: {  	[smem:$0x3FAE] =	sst s5  }
0xe: {  	[smem:$0x3FAF] =	sst s6  }
0xf: {  	[smem:$0x3FB0] =	sst s7  }
0x10: {  	[smem:$0x3FB1] =	sst s8  }
0x11: {  	[smem:$0x3FB2] =	sst s9;
	s0 =	simm.s32 @!p0 $0x0  }
0x12: {  	s1 =	sld [smem:$0x3F98];
	s0 =	simm.s32 @p0 $0x1  }
0x13: {  	[smem:$0x3FB3] =	sst s0;
	s0 =	simm.s32 @!p1 $0x0  }
0x14: {  	s2 =	sld [smem:$0x3F97];
	s0 =	simm.s32 @p1 $0x1  }
0x15: {  	[smem:$0x3FB4] =	sst s0;
	s0 =	simm.s32 @!p2 $0x0  }
0x16: {  	s3 =	sld [smem:$0x3FDB];
	s0 =	simm.s32 @p2 $0x1  }
0x17: {  	s4 =	simm.s32 $0x1BF5;
	[smem:$0x3FB6] =	sst s0  }
0x18: {  	s0 =	sld [smem:$0x3F99];
	_ =	swait.ge [sflag:s4], $0x0  }
0x19: {  	s7 =	sld [smem:$0x3F9A]  }
0x1a: {  	s8 =	sadd.s32 $0xFFFFE003, lr  }
0x1b: {  	s9 =	sadd.s32 $0xFFFFFEF7, lr;
	s5 =	simm.s32 $0xFFFFFFFF;
	p2 =	slt.u32 s8, $0xFFFFF086  }
0x1c: {  	p1 =	slt.u32 s9, $0xF7A;
	s5 =	simm.s32 @!p2 $0x0  }
0x1d: {  	s5 =	simm.s32 @p1 $0x1;
	p0 =	seq.s32 s7, s2  }
0x1e: {  	s7 =	smul.u32 @!p0 $0xF7A, s2;
	p2 =	seq.s32 @!p0 s5, $0x0  }
0x1f: {  	s9 =	smul.u32 $0xF7A, s1;
	s8 =	simm.s32 @!p0 $0x1BF5;
	p2 =	por !p2, p0  }
0x20: {  	[sflag:s8] =	ssyncset.s32 @!p0 $0xFFFFF086;
	s6 =	sadd.s32 @!p0 s3, s7;
	s7 =	simm.s32 @!p0 $0x108  }
0x21: {  	s3 =	sadd.s32 s3, s9;
	s6 =	sadd.s32 @!p0 $0x88, s6;
	s7 =	simm.s32 @p2 $0x1082  }
0x22: {  	[simem:s7], [sflag:s8] =	dma.local @!p0 [hbm:s6], $0xF7A  }
0x23: {  	s9 =	sor.u32 $0xD0000000, s2;
	s6 =	simm.s32 $0x108;
	_ =	swait.ge @!p0 [sflag:s8], $0x0  }
0x24: {  	s3 =	sadd.s32 $0x88, s3;
	s6 =	simm.s32 @!p1 $0x1082;
	[sflag:s4] =	ssyncset.s32 $0xFFFFF086  }
0x25: {  	[simem:s6], [sflag:s4] =	dma.local [hbm:s3], $0xF7A  }
0x26: {  	[smem:$0x3F9A] =	sst s1;
	(tag) =	ssettag s2;
	_ =	strace s9  }
0x27: {  	s1 =	sld [smem:$0x3FAA]  }
0x28: {  	s2 =	sld [smem:$0x3FAB]  }
0x29: {  	s4 =	sld [smem:$0x3FAD]  }
0x2a: {  	p0 =	seq.s32 s5, $0x0;
	s5 =	sld [smem:$0x3FAE]  }
0x2b: {  	s6 =	sld [smem:$0x3FAF]  }
0x2c: {  	s7 =	sld [smem:$0x3FB0]  }
0x2d: {  	s3 =	simm.s32 $0x108;
	s8 =	sld [smem:$0x3FB1]  }
0x2e: {  	s3 =	simm.s32 @!p0 $0x1082;
	s9 =	sld [smem:$0x3FB2]  }
0x2f: {  	lr =	sadd.s32 s0, s3;
	s0 =	sld [smem:$0x3FA9]  }
0x30: {  	s3 =	sld [smem:$0x3FAC]  }
0x31: {  	[smem:$0x3FB5] =	sst s10  }
0x32: {  	s10 =	sld [smem:$0x3FB3];
	_ =	sdelay $0x3  }
0x33: {  	p0 =	seq.s32 s10, $0x1;
	s10 =	sld [smem:$0x3FB5];
	_ =	sdelay $0x3  }
0x34: {  	[smem:$0x3FB5] =	sst s10  }
0x35: {  	s10 =	sld [smem:$0x3FB4];
	_ =	sdelay $0x3  }
0x36: {  	p1 =	seq.s32 s10, $0x1;
	s10 =	sld [smem:$0x3FB5];
	_ =	sdelay $0x3  }
0x37: {  	[smem:$0x3FB5] =	sst s10  }
0x38: {  	s10 =	sld [smem:$0x3FB6]  }
0x39: {  	_ = 	snop;
	(pc) =	sbr.ind lr, $3  }
0x3a: {  	_ = 	snop  }
0x3b: {  	_ = 	snop  }
0x3c: {  	p2 =	seq.s32 s10, $0x1;
	s10 =	sld [smem:$0x3FB5]  }
0x3d: {  	_ =	shalt  }
0x3e: {  	_ =	shalt  }
0x3f: {  	_ =	shalt  }
0x40: {  	_ =	shalt  }
0x41: {  	_ =	shalt  }
0x42: {  	_ =	shalt  }
0x43: {  	_ =	shalt  }
0x44: {  	_ =	shalt  }
0x45: {  	_ =	shalt  }
0x46: {  	_ =	shalt  }
0x47: {  	_ =	shalt  }
0x48: {  	_ =	shalt  }
0x49: {  	_ =	shalt  }
0x4a: {  	_ =	shalt  }
0x4b: {  	_ =	shalt  }
0x4c: {  	_ =	shalt  }
0x4d: {  	_ =	shalt  }
0x4e: {  	_ =	shalt  }
0x4f: {  	_ =	shalt  }
0x50: {  	_ =	shalt  }
0x51: {  	_ =	shalt  }
0x52: {  	_ =	shalt  }
0x53: {  	_ =	shalt  }
0x54: {  	_ =	shalt  }
0x55: {  	_ =	shalt  }
0x56: {  	_ =	shalt  }
0x57: {  	_ =	shalt  }
0x58: {  	_ =	shalt  }
0x59: {  	_ =	shalt  }
0x5a: {  	_ =	shalt  }
0x5b: {  	_ =	shalt  }
0x5c: {  	_ =	shalt  }
0x5d: {  	_ =	shalt  }
0x5e: {  	_ =	shalt  }
0x5f: {  	_ =	shalt  }
0x60: {  	_ =	shalt  }
0x61: {  	_ =	shalt  }
0x62: {  	_ =	shalt  }
0x63: {  	_ =	shalt  }
0x64: {  	_ =	shalt  }
0x65: {  	_ =	shalt  }
0x66: {  	_ =	shalt  }
0x67: {  	_ =	shalt  }
0x68: {  	_ =	shalt  }
0x69: {  	_ =	shalt  }
0x6a: {  	_ =	shalt  }
0x6b: {  	_ =	shalt  }
0x6c: {  	_ =	shalt  }
0x6d: {  	_ =	shalt  }
0x6e: {  	_ =	shalt  }
0x6f: {  	_ =	shalt  }
0x70: {  	_ =	shalt  }
0x71: {  	_ =	shalt  }
0x72: {  	_ =	shalt  }
0x73: {  	_ =	shalt  }
0x74: {  	_ =	shalt  }
0x75: {  	_ =	shalt  }
0x76: {  	_ =	shalt  }
0x77: {  	_ =	shalt  }
0x78: {  	_ =	shalt  }
0x79: {  	_ =	shalt  }
0x7a: {  	_ =	shalt  }
0x7b: {  	_ =	shalt  }
0x7c: {  	_ =	shalt  }
0x7d: {  	_ =	shalt  }
0x7e: {  	_ =	shalt  }
0x7f: {  	_ =	shalt  }
0x80: {  	_ =	shalt  }
0x81: {  	_ =	shalt  }
0x82: {  	_ =	shalt  }
0x83: {  	_ =	shalt  }
0x84: {  	_ =	shalt  }
0x85: {  	_ =	shalt  }
0x86: {  	_ =	shalt  }
0x87: {  	_ =	shalt  }
.Lfunc_end0:
.L_simem_size_0:
called_computation.1_lowered:
.L_overlay_start_0:
0x88: {  	s2 =	sld [smem:$0x3FD9]  }
0x89: {  	s3 =	sld [smem:$0x3FFE];
	_ =	sdelay $0x1  }
0x8a: {  	s1 =	srdreg.scid  }
0x8b: {  	s0 =	sand.u32 $0x1, s1  }
0x8c: {  	s17 =	sshll.u32 s0, $0xA;
	s2 =	sadd.s32 s3, s2  }
0x8d: {  	s2 =	sadd.s32 s2, s17  }
0x8e: {  	[smem:$0x3FC1] =	sst s2  }
0x8f: {  	_ = 	snop  }
0x90: {  	s2 =	sld [smem:$0x3FD0];
	(tm) =	ssettm $0x1  }
0x91: {  	s18 =	sld [smem:$0x3FFB];
	_ =	sdelay $0x3  }
0x92: {  	_ =	strace s18  }
0x93: {  	s3 =	sld [smem:$0x3FFC];
	_ =	sdelay $0x3  }
0x94: {  	_ =	strace s3  }
0x95: {  	s3 =	sld [smem:$0x3FFD];
	_ =	sdelay $0x3  }
0x96: {  	_ =	strace s3  }
0x97: {  	_ =	strace $0x8FFFFFFF  }
0x98: {  	s19 =	sld [smem:$0x3FDB];
	_ =	sdelay $0x1  }
0x99: {  	s4 =	simm.s32 $_scs_section_size  }
0x9a: {  	s5 =	simm.s32 $_size__tile_overlayer_lowered;
	s6 =	simm.s32 $_tile_overlayer_lowered  }
0x9b: {  	s22 =	simm.s32 $0x1BFF;
	s21 =	sshll.u32 s6, $0x1;
	s3 =	sadd.s32 s4, s19  }
0x9c: {  	s7 =	simm.s32 $0x0;
	s20 =	sshll.u32 s5, $0x1;
	s5 =	sadd.s32 s21, s3  }
0x9d: {  	[timem:s7], [sflag:s22] =	dma.local [hbm:s5], s20  }
0x9e: {  	_ =	swait.ge [sflag:s22], s20  }
0x9f: {  	s4 =	ssub.s32 $0x0, s20;
	[sflag:s22] =	ssyncset.done $0x0  }
0xa0: {  	[sflag:s22] =	ssyncadd.s32 s4;
	_ =	sdelay $0x1  }
0xa1: {  	s23 =	simm.s32 $0x1B8B  }
0xa2: {  	_ =	swait.ge [sflag:s23], $0x1  }
0xa3: {  	[sflag:s23] =	ssyncset.done $0x0  }
0xa4: {  	s25 =	simm.s32 $0x1B8E;
	s24 =	sld [smem:$0x3FFE];
	[sflag:s23] =	ssyncadd.s32 $0xFFFFFFFF  }
0xa5: {  	s26 =	simm.s32 $execute0_lowered;
	[smem:$0x3FD2] =	sst s25  }
0xa6: {  	s5 =	sshll.u32 s26, $0x1;
	_ =	strace $0x80000049;
	[dreg:$0x1] =	wrdreg $0xFFFFFFFF  }
0xa7: {  	s28 =	simm.s32 $_size_execute0_lowered;
	s3 =	sadd.s32 s3, s5;
	[dreg:$0x0] =	wrdreg $0x0  }
0xa8: {  	s5 =	sshll.u32 s28, $0x1;
	[dreg:$0x2] =	wrdreg s3  }
0xa9: {  	[dreg:$0x3] =	wrdreg s5  }
0xaa: {  	[dreg:$0x4] =	wrdreg $0xC0  }
0xab: {  	_ =	task [dreg:s7], $0x5FFFF  }
0xac: {  	[dreg:$0x1] =	wrdreg $0xFFFFFFFF  }
0xad: {  	[dreg:$0x0] =	wrdreg $0x60  }
0xae: {  	[dreg:$0x2] =	wrdreg s24  }
0xaf: {  	[dreg:$0x3] =	wrdreg s2  }
0xb0: {  	[dreg:$0x4] =	wrdreg $0x0  }
0xb1: {  	[dreg:$0x5] =	wrdreg $0x9  }
0xb2: {  	_ =	task.clear_ibuf [dreg:s7], $0x6FFFF;
	_ =	strace $0x90000049  }
0xb3: {  	s29 =	simm.s32 $0x9;
	_ =	strace $0x8000004B  }
0xb4: {  	_ =	swait.ge [sflag:s29], $0x1  }
0xb5: {  	[sflag:s29] =	ssyncadd.s32 $0xFFFFFFFF  }
0xb6: {  	_ =	strace $0x9000004B  }
0xb7: {  	_ =	sfence  }
0xb8: {  	s30 =	sld [smem:$0x0];
	_ =	sdelay $0x2  }
0xb9: {  	s31 =	sshll.u32 s1, $0xD;
	s1 =	sshrl.u32 s1, $0x2  }
0xba: {  	s3 =	sand.u32 $0x4000, s31;
	s1 =	sadd.s32 s1, s30  }
0xbb: {  	s0 =	sor.u32 s3, s0;
	s1 =	sshll.u32 s1, $0x11  }
0xbc: {  	s0 =	sor.u32 s1, s0  }
0xbd: {  	s0 =	sadd.s32 $0x8F2B, s0  }
0xbe: {  	[sflag:s0] =	ssyncadd.remote.s32 $0x1  }
0xbf: {  	_ =	sfence.sel $0xFFFF  }
0xc0: {  	[dreg:$0x0] =	wrdreg $0xFFFFFFFF;
	(pc) =	sbr.abs _section_cstart, $3  }
0xc1: {  	[dreg:$0x1] =	wrdreg $0xFFFFFFFF  }
0xc2: {  	_ =	task.clear_ibuf [dreg:s7], $0x2FFFF;
	_ =	strace $0x9FFFFFFF  }
0xc3: {  	(tm) =	ssettm $0x7FFFFFFF  }
tec
execute0_lowered:
.L_overlay_start_1:
0x0: {  	(tag) =	ssettag $0x1  }
0x1: {  	s0 =	rddreg [dreg:$0x0];
	s2 =	srdreg.scid  }
0x2: {  	s9 =	rddreg [dreg:$0x1];
	s10 =	sand.u32 $0x1, s2  }
0x3: {  	s2 =	stileid.u32;
	s5 =	smul.u32 $0x4F0, s10  }
0x4: {  	s1 =	rddreg [dreg:$0x2];
	s6 =	smul.u32 $0x4F, s2  }
0x5: {  	s3 =	simm.s32 $0x0;
	s15 =	simm.s32 $0x139C0;
	s7 =	smul.u32 $0x27100, s10  }
0x6: {  	s16 =	simm.s32 $0x1;
	s17 =	simm.s32 $0x80;
	s8 =	smul.u32 $0x4F000, s2  }
0x7: {  	s28 =	simm.s32 $0x4;
	s29 =	simm.s32 $0x13A40;
	s11 =	smul.u32 $0x2780, s2  }
0x8: {  	s30 =	simm.s32 $0x0;
	[smem:$0x7FF] =	sst s3;
	s13 =	smul.u32 $0x138800, s10  }
0x9: {  	s4 =	sadd.s32 $0x16000, s0;
	s0 =	sadd.s32 $0x2400, s0;
	s22 =	smul.u32 $0x27800, s2  }
0xa: {  	_ =	strace $0x8000004A;
	s18 =	ssub.s32 $0x2, s10;
	s14 =	smul.u32 $0x9E00, s10  }
0xb: {  	s23 =	sshll.u32 s10, $0xA;
	s24 =	sshll.u32 s10, $0x7;
	s31 =	smul.u32 $0x9E0, s2  }
0xc: {  	p0 =	seq.s32 s2, $0xF;
	s12 =	sshrl.u32 s18, $0x1;
	s26 =	sadd.s32 s24, s9  }
0xd: {  	s24 =	simm.s32 $0x3;
	s5 =	sadd.s32 s6, s5;
	s12 =	ssub.s32 s18, s12  }
0xe: {  	s8 =	sshrl.u32 s8, $0x2;
	s7 =	sadd.s32 s11, s7;
	s20 =	sshrl.u32 s13, $0x3  }
0xf: {  	s11 =	sor.u32 s23, s22;
	s10 =	sadd.s32 $0x4A100, s26;
	s18 =	simm.s32 $0x13AC0  }
0x10: {  	s22 =	simm.s32 $0x2;
	s23 =	simm.s32 $0x17AC0;
	s26 =	simm.s32 $0x5  }
0x11: {  	s5 =	sshll.u32 s5, $0x5;
	s21 =	sadd.s32 s8, s1;
	s7 =	sadd.s32 s4, s7  }
0x12: {  	s8 =	sadd.s32 s4, s20;
	s25 =	sshrl.u32 s11, $0x3;
	s11 =	smax.u32 s12, $0x1  }
0x13: {  	s5 =	sadd.s32 s0, s5;
	s8 =	sadd.s32 $0x25080, s8;
	s9 =	sadd.s32 s9, s25  }
0x14: {  	s0 =	sadd.s32 s14, s0;
	s14 =	simm.s32 $0x138C0;
	s21 =	sshrl.u32 @!p0 s21, $0x3  }
0x15: {  	s25 =	simm.s32 $0x13940;
	s19 =	sadd.s32 $0x20, s5;
	s13 =	sadd.s32 s31, s0  }
0x16: {  	s0 =	sshll.u32 @!p0 s2, $0x6;
	[dreg:$0x4] =	wrdreg s19;
	s19 =	sadd.s32 $0x128400, s1  }
0x17: {  	s12 =	sadd.s32 $0x9C0, s5;
	s20 =	sor.u32 @!p0 $0x1C05, s0;
	s19 =	sshrl.u32 @p0 s19, $0x3  }
.LBB2_1:
0x18: {  	[tilespmem:s14], [sflag:$0x1] =	stream.linear.gather [hbm4b:s5+s3], $0x100, $0x38;
	[tilespmem:$0x1BAC0] =	vst v63  }
0x19: {  	s0 =	rddreg [dreg:$0x4]  }
0x1a: {  	[tilespmem:s15], [sflag:$0x2] =	stream.linear.gather [hbm4b:s0+s3], $0x100, $0x38;
	[tilespmem:$0x1BAC0] =	vst v63  }
0x1b: {  	_ =	swait.ge [sflag:s16], $0x100  }
0x1c: {  	[sflag:s16] =	ssyncset.done $0x0  }
0x1d: {  	s0 =	simm.s32 @p0 $0x1FC5;
	[sflag:s16] =	ssyncadd.s32 $0xFFFFFF00  }
0x1e: {  	[tilespmem:s18], [sflag:$0x3] =	stream.indirect.gather [hbm4b:s4+s17], $0x80, s14, s17, $0xb8;
	[tilespmem:$0x1BAC0] =	vst v63  }
0x1f: {  	[spmem:s19], [sflag:s0] =	dma.local @p0 [hbm:s8], $0x2080  }
0x20: {  	s0 =	simm.s32 @p0 $0x5  }
0x21: {  	_ =	swait.ge @p0 [sflag:s0], $0x2080  }
0x22: {  	[sflag:s0] =	ssyncset.done @p0 $0x0  }
0x23: {  	[sflag:s0] =	ssyncadd.s32 @p0 $0xFFFFDF80;
	s0 =	simm.s32 @!p0 $0x5  }
0x24: {  	[spmem:s21], [sflag:s20] =	dma.local @!p0 [hbm:s7], $0x2780  }
0x25: {  	_ =	swait.ge @!p0 [sflag:s0], $0x2780  }
0x26: {  	[sflag:s0] =	ssyncset.done @!p0 $0x0  }
0x27: {  	[sflag:s0] =	ssyncadd.s32 @!p0 $0xFFFFD880  }
0x28: {  	[bflag:$0x0] =	sbarrier.arrive $0xFFFF  }
0x29: {  	_ =	swait.ge [sflag:s22], $0x100  }
0x2a: {  	[sflag:s22] =	ssyncset.done $0x0  }
0x2b: {  	[sflag:s22] =	ssyncadd.s32 $0xFFFFFF00  }
0x2c: {  	[tilespmem:s23], [sflag:$0x4] =	stream.indirect.gather [hbm4b:s4+s17], $0x80, s15, s17, $0xb8;
	[tilespmem:$0x1BAC0] =	vst v63  }
0x2d: {  	_ =	swait.ge [sflag:s24], $0x4000  }
0x2e: {  	[sflag:s24] =	ssyncset.done $0x0  }
0x2f: {  	[sflag:s24] =	ssyncadd.s32 $0xFFFFC000  }
0x30: {  	[spmem:s1] =	stream.indirect.scatter.add.f32 [tilespmem:s18], [sflag:$0x5], $0x80, s25, s17, $0xb8;
	[tilespmem:$0x1BAC0] =	vst v63  }
0x31: {  	_ =	swait.ge [sflag:s26], $0x4000  }
0x32: {  	s6 =	sadd.s32 $0xFFFFF680, s13;
	[sflag:s26] =	ssyncset.done $0x0  }
0x33: {  	s31 =	sadd.s32 $0x9C0, s6;
	[sflag:s26] =	ssyncadd.s32 $0xFFFFC000  }
0x34: {  	[tilespmem:s14], [sflag:$0x1] =	stream.linear.gather [hbm4b:s31+s3], $0x100, $0x38;
	[tilespmem:$0x1BAC0] =	vst v63  }
0x35: {  	_ =	swait.ge [sflag:s16], $0x100  }
0x36: {  	[sflag:s16] =	ssyncset.done $0x0  }
0x37: {  	[sflag:s16] =	ssyncadd.s32 $0xFFFFFF00  }
0x38: {  	[tilespmem:s18], [sflag:$0x3] =	stream.indirect.gather [hbm4b:s4+s17], $0x80, s14, s17, $0xb8;
	[tilespmem:$0x1BAC0] =	vst v63  }
0x39: {  	_ =	swait.ge [sflag:s28], $0x4000  }
0x3a: {  	[sflag:s28] =	ssyncset.done $0x0  }
0x3b: {  	[sflag:s28] =	ssyncadd.s32 $0xFFFFC000  }
0x3c: {  	[spmem:s1] =	stream.indirect.scatter.add.f32 [tilespmem:s23], [sflag:$0x5], $0x80, s29, s17, $0xb8;
	[tilespmem:$0x1BAC0] =	vst v63  }
0x3d: {  	_ =	swait.ge [sflag:s26], $0x4000  }
0x3e: {  	[sflag:s26] =	ssyncset.done $0x0  }
0x3f: {  	s0 =	sadd.s32 $0x9E0, s6;
	s31 =	simm.s32 $0xFFFFF6C0;
	[sflag:s26] =	ssyncadd.s32 $0xFFFFC000  }
.LBB2_2:
0x40: {  	[tilespmem:s15], [sflag:$0x2] =	stream.linear.gather [hbm4b:s0+s3], $0x100, $0x38;
	[tilespmem:$0x1BAC0] =	vst v63  }
0x41: {  	s0 =	smov.u32 s31  }
0x42: {  	p1 =	sne.s32 s31, $0xFFFFFFC0;
	s31 =	sadd.s32 $0x40, s31;
	_ =	swait.ge [sflag:s22], $0x100  }
0x43: {  	[sflag:s22] =	ssyncset.done $0x0  }
0x44: {  	[sflag:s22] =	ssyncadd.s32 $0xFFFFFF00  }
0x45: {  	[tilespmem:s23], [sflag:$0x4] =	stream.indirect.gather [hbm4b:s4+s17], $0x80, s15, s17, $0xb8;
	[tilespmem:$0x1BAC0] =	vst v63  }
0x46: {  	_ =	swait.ge [sflag:s24], $0x4000  }
0x47: {  	[sflag:s24] =	ssyncset.done $0x0  }
0x48: {  	[sflag:s24] =	ssyncadd.s32 $0xFFFFC000  }
0x49: {  	[spmem:s1] =	stream.indirect.scatter.add.f32 [tilespmem:s18], [sflag:$0x5], $0x80, s25, s17, $0xb8;
	[tilespmem:$0x1BAC0] =	vst v63  }
0x4a: {  	_ =	swait.ge [sflag:s26], $0x4000  }
0x4b: {  	s0 =	sadd.s32 s0, s13;
	[sflag:s26] =	ssyncset.done $0x0  }
0x4c: {  	s2 =	sadd.s32 $0x9C0, s0;
	[sflag:s26] =	ssyncadd.s32 $0xFFFFC000  }
0x4d: {  	[tilespmem:s14], [sflag:$0x1] =	stream.linear.gather [hbm4b:s2+s3], $0x100, $0x38;
	[tilespmem:$0x1BAC0] =	vst v63  }
0x4e: {  	_ =	swait.ge [sflag:s16], $0x100  }
0x4f: {  	[sflag:s16] =	ssyncset.done $0x0  }
0x50: {  	[sflag:s16] =	ssyncadd.s32 $0xFFFFFF00  }
0x51: {  	[tilespmem:s18], [sflag:$0x3] =	stream.indirect.gather [hbm4b:s4+s17], $0x80, s14, s17, $0xb8;
	[tilespmem:$0x1BAC0] =	vst v63  }
0x52: {  	_ =	swait.ge [sflag:s28], $0x4000  }
0x53: {  	[sflag:s28] =	ssyncset.done $0x0  }
.Ltmp0:
0x54: {  	[sflag:s28] =	ssyncadd.s32 $0xFFFFC000;
	(pc) =	sbr.rel @p1 .LBB2_2-.Ltmp0, $4  }
0x55: {  	[spmem:s1] =	stream.indirect.scatter.add.f32 [tilespmem:s23], [sflag:$0x5], $0x80, s29, s17, $0xb8;
	[tilespmem:$0x1BAC0] =	vst v63  }
0x56: {  	_ =	swait.ge [sflag:s26], $0x4000  }
0x57: {  	[sflag:s26] =	ssyncset.done $0x0  }
0x58: {  	s0 =	sadd.s32 $0x9E0, s0;
	[sflag:s26] =	ssyncadd.s32 $0xFFFFC000  }
0x59: {  	[tilespmem:s15], [sflag:$0x2] =	stream.linear.gather [hbm4b:s0+s3], $0x100, $0x38;
	[tilespmem:$0x1BAC0] =	vst v63  }
0x5a: {  	_ =	swait.ge [sflag:s22], $0x100  }
0x5b: {  	[sflag:s22] =	ssyncset.done $0x0  }
0x5c: {  	[sflag:s22] =	ssyncadd.s32 $0xFFFFFF00  }
0x5d: {  	[tilespmem:s23], [sflag:$0x4] =	stream.indirect.gather [hbm4b:s4+s17], $0x80, s15, s17, $0xb8;
	[tilespmem:$0x1BAC0] =	vst v63  }
0x5e: {  	_ =	swait.ge [sflag:s24], $0x4000  }
0x5f: {  	[sflag:s24] =	ssyncset.done $0x0  }
0x60: {  	[sflag:s24] =	ssyncadd.s32 $0xFFFFC000  }
0x61: {  	[spmem:s1] =	stream.indirect.scatter.add.f32 [tilespmem:s18], [sflag:$0x5], $0x80, s25, s17, $0xb8;
	[tilespmem:$0x1BAC0] =	vst v63  }
0x62: {  	_ =	swait.ge [sflag:s26], $0x4000  }
0x63: {  	[sflag:s26] =	ssyncset.done $0x0  }
0x64: {  	[sflag:s26] =	ssyncadd.s32 $0xFFFFC000  }
0x65: {  	[tilespmem:s14], [sflag:$0x1] =	stream.linear.gather [hbm4b:s12+s3], $0x100, $0x38;
	[tilespmem:$0x1BAC0] =	vst v63  }
0x66: {  	_ =	swait.ge [sflag:s16], $0x100  }
0x67: {  	[sflag:s16] =	ssyncset.done $0x0  }
0x68: {  	[sflag:s16] =	ssyncadd.s32 $0xFFFFFF00  }
0x69: {  	[tilespmem:s18], [sflag:$0x3] =	stream.indirect.gather [hbm4b:s4+s17], $0x80, s14, s17, $0xb8;
	[tilespmem:$0x1BAC0] =	vst v63  }
0x6a: {  	_ =	swait.ge [sflag:s28], $0x4000  }
0x6b: {  	[sflag:s28] =	ssyncset.done $0x0  }
0x6c: {  	[sflag:s28] =	ssyncadd.s32 $0xFFFFC000  }
0x6d: {  	[spmem:s1] =	stream.indirect.scatter.add.f32 [tilespmem:s23], [sflag:$0x5], $0x80, s29, s17, $0xb8;
	[tilespmem:$0x1BAC0] =	vst v63  }
0x6e: {  	_ =	swait.ge [sflag:s26], $0x4000  }
0x6f: {  	[sflag:s26] =	ssyncset.done $0x0  }
0x70: {  	[sflag:s26] =	ssyncadd.s32 $0xFFFFC000  }
0x71: {  	_ =	swait.ge [sflag:s24], $0x4000  }
0x72: {  	[sflag:s24] =	ssyncset.done $0x0  }
0x73: {  	[sflag:s24] =	ssyncadd.s32 $0xFFFFC000  }
0x74: {  	[spmem:s1] =	stream.indirect.scatter.add.f32 [tilespmem:s18], [sflag:$0x5], $0x80, s25, s17, $0xb8;
	[tilespmem:$0x1BAC0] =	vst v63  }
0x75: {  	_ =	swait.ge [sflag:s26], $0x4000  }
0x76: {  	[sflag:s26] =	ssyncset.done $0x0  }
0x77: {  	s0 =	simm.s32 @p0 $0x8;
	s2 =	simm.s32 @p0 $0x100;
	[sflag:s26] =	ssyncadd.s32 $0xFFFFC000  }
0x78: {  	s31 =	simm.s32 @p0 $0x80;
	s6 =	simm.s32 @p0 $0x1FC5;
	[bflag:$0x0] =	sbarrier.arrive $0xFFFF  }
0x79: {  	[hbm:s10@s2], [sflag:s6] =	dma.strided @p0 [spmem:s19@s31], $0x2080, s0, $0x10   }
0x7a: {  	s0 =	simm.s32 @p0 $0x5  }
0x7b: {  	s30 =	sadd.s32 $0x1, s30;
	_ =	swait.ge @p0 [sflag:s0], $0x2080  }
0x7c: {  	p1 =	sne.s32 s30, s11;
	s2 =	simm.s32 @!p0 $0x100;
	[sflag:s0] =	ssyncset.done @p0 $0x0  }
0x7d: {  	s6 =	simm.s32 @!p0 $0x80;
	[sflag:s0] =	ssyncadd.s32 @p0 $0xFFFFDF80;
	s0 =	simm.s32 @!p0 $0x8  }
0x7e: {  	[hbm:s9@s2], [sflag:s20] =	dma.strided @!p0 [spmem:s21@s6], $0x2780, s0, $0x10   }
.Ltmp1:
0x7f: {  	_ = 	snop;
	(pc) =	sbr.rel @p1 .LBB2_1-.Ltmp1, $4  }
0x80: {  	s0 =	simm.s32 @!p0 $0x5  }
0x81: {  	_ =	swait.ge @!p0 [sflag:s0], $0x2780  }
0x82: {  	[sflag:s0] =	ssyncset.done @!p0 $0x0  }
0x83: {  	[sflag:s0] =	ssyncadd.s32 @!p0 $0xFFFFD880  }
0x84: {  	_ =	sfence.sel $0x180000  }
0x85: {  	[bflag:$0x0] =	sbarrier.arrive $0xFFFF  }
0x86: {  	_ =	strace $0x9000004A  }
0x87: {  	s0 =	stileid.u32;
	[bflag:$0x2] =	sbarrier.arrive $0xFFFF  }
0x88: {  	p0 =	sne.s32 s0, $0x0;
	s0 =	rddreg [dreg:$0x3]  }
0x89: {  	s0 =	sadd.s32 @!p0 $0x100000, s0  }
0x8a: {  	[sflag:s0] =	ssyncadd.tile.s32 @!p0 $0x1;
	_ =	shalt  }
.Lfunc_end2:
_tile_overlayer_lowered:
.L_overlay_start_2:
0x8b: {  	(tag) =	ssettag $0x2  }
0x8c: {  	s0 =	rddreg [dreg:$0x0];
	s2 =	stileid.u32  }
0x8d: {  	s1 =	rddreg [dreg:$0x1];
	p0 =	sne.s32 s2, $0x0  }
0x8e: {  	s3 =	rddreg [dreg:$0x2];
	[bflag:$0x3] =	sbarrier.arrive $0xFFFF;
	s2 =	simm.s32 @!p0 $0x1C05  }
0x8f: {  	[timem:s3], [sflag:s2] =	dma.local @!p0 [hbm:s0], s1  }
0x90: {  	s0 =	simm.s32 @!p0 $0x5  }
0x91: {  	_ =	swait.ge @!p0 [sflag:s0], s1  }
0x92: {  	s1 =	ssub.s32 @!p0 $0x0, s1;
	[sflag:s0] =	ssyncset.done @!p0 $0x0  }
0x93: {  	[sflag:s0] =	ssyncadd.s32 @!p0 s1  }
0x94: {  	[bflag:$0x3] =	sbarrier.arrive $0xFFFF  }
0x95: {  	_ =	shalt  }

</sc_bundles>
